<compile_context>
chip_gen: v7x
topology: tpu7x:2x2x1
jax: 0.10.2.dev20260603
libtpu: 0.0.44.dev20260713+nightly
codegen_flags: <defaults>
</compile_context>

<pallas_src>
import functools

import jax
import jax.numpy as jnp
from jax import lax
from jax.experimental import pallas as pl
from jax.experimental.pallas import tpu as pltpu
from jax.experimental.pallas import tpu_sc as plsc

_NC, _NS, _L = 2, 16, 16
_NW = _NC * _NS


@functools.cache
def _make_sc_loss(n: int, c: int, d: int):
    num_rows = n * c
    assert num_rows % (_NW * _L) == 0
    rows_per_w = num_rows // _NW
    chunks = rows_per_w // _L
    cpr = c // _L
    rpw = rows_per_w // c
    assert cpr >= 1 and rows_per_w % c == 0
    mesh = plsc.VectorSubcoreMesh(core_axis_name="c", subcore_axis_name="s")

    @functools.partial(
        pl.kernel,
        out_type=jax.ShapeDtypeStruct((_NW, _L), jnp.float32),
        mesh=mesh,
        compiler_params=pltpu.CompilerParams(needs_layout_passes=False),
        scratch_types=[
            pltpu.VMEM((8, c), jnp.int32),
            pltpu.VMEM((8, c), jnp.float32),
            pltpu.VMEM((rows_per_w * 8, 128), jnp.float32),
            pltpu.VMEM((_L,), jnp.float32),
            pltpu.SemaphoreType.DMA,
            pltpu.SemaphoreType.DMA,
        ],
    )
    def k(prob_hbm, tgt_hbm, rew_hbm, out_hbm, tgt_v, rew_v, val_v,
          acc_v, sem, sem2):
        wid = lax.axis_index("s") * _NC + lax.axis_index("c")
        base = wid * rows_per_w
        blk = pl.multiple_of((wid * rpw // 8) * 8, 8)
        r0 = wid * rpw - blk
        tgt_cp = pltpu.async_copy(tgt_hbm.at[pl.ds(blk, 8)], tgt_v, sem)
        rew_cp = pltpu.async_copy(rew_hbm.at[pl.ds(blk, 8)], rew_v, sem2)
        tgt_cp.wait()
        lane = lax.iota(jnp.int32, _L)

        def chunk_of(ref, j):
            return ref[r0 + j // cpr, pl.ds((j % cpr) * _L, _L)]

        for j in range(chunks):
            t_chunk = chunk_of(tgt_v, j)
            for l in range(_L):
                i = j * _L + l
                cb = pl.multiple_of((t_chunk[l] >> 7) << 7, 128)
                rb = pl.multiple_of(base + 8 * (i // 8), 8)
                pltpu.async_copy(
                    prob_hbm.at[pl.ds(rb, 8), pl.ds(cb, 128)],
                    val_v.at[pl.ds(i * 8, 8)], sem)
        rew_cp.wait()
        pltpu.make_async_copy(
            prob_hbm.at[pl.ds(0, rows_per_w * 8), pl.ds(0, 128)],
            val_v, sem).wait()
        acc = jnp.zeros((_L,), jnp.float32)
        for j in range(chunks):
            ivec = j * _L + lane
            rvec = lane & 7
            cvec = chunk_of(tgt_v, j) & 127
            vals = plsc.load_gather(val_v, [ivec * 8 + rvec, cvec])
            acc = acc + vals * chunk_of(rew_v, j)
        acc_v[...] = acc
        pltpu.sync_copy(acc_v, out_hbm.at[wid])

    return k


def kernel(prob, target, reward):
    _, d = prob.shape
    n, c = target.shape
    partials = _make_sc_loss(n, c, d)(
        prob, target.astype(jnp.int32), reward)
    return -jnp.sum(partials)

# --- scband reference (transcript-rebuilt; emitter-appended) ---
"""Pipeline reference for scband-ganloss-19207093747857 (READ-ONLY COPY).

The authoritative reference and input builder live on the scoring server;
editing this copy changes nothing except your own understanding.
"""

import jax, jax.numpy as jnp
import numpy as np


def setup_inputs(seed: int = 0) -> dict:
    key = jax.random.key(seed)
    k1, k2, k3 = jax.random.split(key, 3)
    N, C, D = 64, 32, 32000
    prob = jax.random.normal(k1, (N * C, D), dtype=jnp.float32)
    target = jax.random.randint(k2, (N, C), 0, D, dtype=jnp.int64)
    reward = jax.random.uniform(k3, (N, C), dtype=jnp.float32)
    return {"prob": prob, "target": target, "reward": reward}


def reference(prob, target, reward):
    N = target.shape[0]
    C = target.shape[1]
    D = prob.shape[1]
    flat_target = target.reshape(-1)  # (N*C,)
    # torch: one_hot.scatter_(1, target.view(-1,1), 1)
    one_hot = jnp.zeros((N * C, D), dtype=jnp.float32)
    one_hot = one_hot.at[jnp.arange(N * C), flat_target].set(1.0)
    reward_col = reward.reshape(-1, 1)  # (N*C, 1)
    loss = one_hot * reward_col * prob
    loss = -jnp.sum(loss)
    return loss


if False:  # reference __main__ guard neutralized (emitter)
    out = reference(**setup_inputs())
    print(out)

if __name__ == "__main__":
    import jax
    _d = setup_inputs()
    print(jax.jit(kernel)(*tuple(_d.values())))

</pallas_src>

<mosaic_0001>
#map = affine_map<(d0, d1) -> (0, 0)>
module attributes {stable_mosaic.version = 14 : i64} {
  func.func @k(%arg0: i32, %arg1: i32, %arg2: memref<2048x32000xf32, #tpu.memory_space<hbm>>, %arg3: memref<64x32xi32, #tpu.memory_space<hbm>>, %arg4: memref<64x32xf32, #tpu.memory_space<hbm>>, %arg5: memref<32x16xf32, #tpu.memory_space<hbm>>, %arg6: memref<8x32xi32, #tpu.memory_space<vmem>>, %arg7: memref<8x32xf32, #tpu.memory_space<vmem>>, %arg8: memref<512x128xf32, #tpu.memory_space<vmem>>, %arg9: memref<16xf32, #tpu.memory_space<vmem>>, %arg10: memref<!tpu.dma_semaphore, #tpu.memory_space<semaphore_mem>>, %arg11: memref<!tpu.dma_semaphore, #tpu.memory_space<semaphore_mem>>) attributes {dimension_semantics = [#tpu.dimension_semantics<core_parallel>, #tpu.dimension_semantics<subcore_parallel>], iteration_bounds = array<i64: 2, 16>, scalar_prefetch = 0 : i64, scratch_operands = 6 : i64, tpu.core_type = #tpu.core_type<sc_vector_subcore>, window_params = [{transform_indices = #map}, {transform_indices = #map}, {transform_indices = #map}, {transform_indices = #map}]} {
    %mul3A = arith.constant 2 : i32
    %mul3A_0 = arith.muli %arg1, %mul3A : i32
    %add3A = arith.addi %mul3A_0, %arg0 : i32
    %mul3A_1 = arith.constant 64 : i32
    %mul3A_2 = arith.muli %add3A, %mul3A_1 : i32
    %mul3A_3 = arith.constant 2 : i32
    %mul3A_4 = arith.muli %add3A, %mul3A_3 : i32
    %jit3A = arith.constant 8 : i32
    %div3A = arith.divsi %mul3A_4, %jit3A : i32
    %sign3A = arith.constant 0 : i32
    %sign3A_5 = arith.cmpi sgt, %mul3A_4, %sign3A : i32
    %sign3A_6 = arith.extui %sign3A_5 : i1 to i32
    %sign3A_7 = arith.constant 0 : i32
    %sign3A_8 = arith.cmpi slt, %mul3A_4, %sign3A_7 : i32
    %sign3A_9 = arith.extui %sign3A_8 : i1 to i32
    %sign3A_10 = arith.subi %sign3A_6, %sign3A_9 : i32
    %sign3A_11 = arith.constant 0 : i32
    %sign3A_12 = arith.cmpi sgt, %jit3A, %sign3A_11 : i32
    %sign3A_13 = arith.extui %sign3A_12 : i1 to i32
    %sign3A_14 = arith.constant 0 : i32
    %sign3A_15 = arith.cmpi slt, %jit3A, %sign3A_14 : i32
    %sign3A_16 = arith.extui %sign3A_15 : i1 to i32
    %sign3A_17 = arith.subi %sign3A_13, %sign3A_16 : i32
    %ne3A = arith.cmpi ne, %sign3A_10, %sign3A_17 : i32
    %rem3A = arith.remsi %mul3A_4, %jit3A : i32
    %ne3A_18 = arith.constant 0 : i32
    %ne3A_19 = arith.cmpi ne, %rem3A, %ne3A_18 : i32
    %and3A = arith.andi %ne3A, %ne3A_19 : i1
    %sub3A = arith.constant 1 : i32
    %sub3A_20 = arith.subi %div3A, %sub3A : i32
    %select_n3A = arith.select %and3A, %sub3A_20, %div3A : i32
    %mul3A_21 = arith.constant 8 : i32
    %mul3A_22 = arith.muli %select_n3A, %mul3A_21 : i32
    %multiple_of3A = tpu.assume_multiple %mul3A_22, 8 : i32
    %mul3A_23 = arith.constant 2 : i32
    %mul3A_24 = arith.muli %add3A, %mul3A_23 : i32
    %sub3A_25 = arith.subi %mul3A_24, %multiple_of3A : i32
    %dma_start3A = arith.constant 0 : i32
    %dma_start3A_26 = tpu.memref_slice %arg3[%multiple_of3A, %dma_start3A] : memref<64x32xi32, #tpu.memory_space<hbm>> -> memref<8x32xi32, #tpu.memory_space<hbm>>
    %dma_start3A_27 = arith.constant 0 : i32
    %dma_start3A_28 = tpu.memref_slice %arg3[%multiple_of3A, %dma_start3A_27] : memref<64x32xi32, #tpu.memory_space<hbm>> -> memref<8x32xi32, #tpu.memory_space<hbm>>
    tpu.enqueue_dma source(%dma_start3A_28 : memref<8x32xi32, #tpu.memory_space<hbm>>) target(%arg6 : memref<8x32xi32, #tpu.memory_space<vmem>>) target_semaphore(%arg10 : memref<!tpu.dma_semaphore, #tpu.memory_space<semaphore_mem>>)
    %dma_start3A_29 = arith.constant 0 : i32
    %dma_start3A_30 = tpu.memref_slice %arg4[%multiple_of3A, %dma_start3A_29] : memref<64x32xf32, #tpu.memory_space<hbm>> -> memref<8x32xf32, #tpu.memory_space<hbm>>
    %dma_start3A_31 = arith.constant 0 : i32
    %dma_start3A_32 = tpu.memref_slice %arg4[%multiple_of3A, %dma_start3A_31] : memref<64x32xf32, #tpu.memory_space<hbm>> -> memref<8x32xf32, #tpu.memory_space<hbm>>
    tpu.enqueue_dma source(%dma_start3A_32 : memref<8x32xf32, #tpu.memory_space<hbm>>) target(%arg7 : memref<8x32xf32, #tpu.memory_space<vmem>>) target_semaphore(%arg11 : memref<!tpu.dma_semaphore, #tpu.memory_space<semaphore_mem>>)
    %dma_wait3A = arith.constant 0 : i32
    %dma_wait3A_33 = tpu.memref_slice %arg3[%multiple_of3A, %dma_wait3A] : memref<64x32xi32, #tpu.memory_space<hbm>> -> memref<8x32xi32, #tpu.memory_space<hbm>>
    %dma_wait3A_34 = arith.constant 0 : i32
    %dma_wait3A_35 = tpu.memref_slice %arg3[%multiple_of3A, %dma_wait3A_34] : memref<64x32xi32, #tpu.memory_space<hbm>> -> memref<8x32xi32, #tpu.memory_space<hbm>>
    tpu.wait_dma2 semaphore(%arg10 : memref<!tpu.dma_semaphore, #tpu.memory_space<semaphore_mem>>) src(%dma_wait3A_35 : memref<8x32xi32, #tpu.memory_space<hbm>>) dst(%arg6 : memref<8x32xi32, #tpu.memory_space<vmem>>)
    %iota3A = tpu.iota {dimensions = array<i32: 0>} : vector<16xi32>
    %add3A_36 = arith.constant 0 : i32
    %add3A_37 = arith.addi %sub3A_25, %add3A_36 : i32
    %get3A = arith.index_cast %add3A_37 : i32 to index
    %get3A_38 = arith.constant 0 : index
    %get3A_39 = tpu.vector_load %arg6[%get3A, %get3A_38] {strides = array<i32>} : memref<8x32xi32, #tpu.memory_space<vmem>>, vector<16xi32>,
    %slice3A = vector.extract_strided_slice %get3A_39 {offsets = [0], sizes = [1], strides = [1]} : vector<16xi32> to vector<1xi32>
    %squeeze3A = vector.extract %slice3A[0] : i32 from vector<1xi32>
    %shift_right_arithmetic3A = arith.constant 7 : i32
    %shift_right_arithmetic3A_40 = arith.shrsi %squeeze3A, %shift_right_arithmetic3A : i32
    %shift_left3A = arith.constant 7 : i32
    %shift_left3A_41 = arith.shli %shift_right_arithmetic3A_40, %shift_left3A : i32
    %multiple_of3A_42 = tpu.assume_multiple %shift_left3A_41, 128 : i32
    %add3A_43 = arith.constant 0 : i32
    %add3A_44 = arith.addi %mul3A_2, %add3A_43 : i32
    %multiple_of3A_45 = tpu.assume_multiple %add3A_44, 8 : i32
    %dma_start3A_46 = arith.constant 0 : i32
    %dma_start3A_47 = arith.constant 0 : i32
    %dma_start3A_48 = tpu.memref_slice %arg8[%dma_start3A_46, %dma_start3A_47] : memref<512x128xf32, #tpu.memory_space<vmem>> -> memref<8x128xf32, #tpu.memory_space<vmem>>
    %dma_start3A_49 = tpu.memref_slice %arg2[%multiple_of3A_45, %multiple_of3A_42] : memref<2048x32000xf32, #tpu.memory_space<hbm>> -> memref<8x128xf32, #tpu.memory_space<hbm>>
    %dma_start3A_50 = arith.constant 0 : i32
    %dma_start3A_51 = arith.constant 0 : i32
    %dma_start3A_52 = tpu.memref_slice %arg8[%dma_start3A_50, %dma_start3A_51] : memref<512x128xf32, #tpu.memory_space<vmem>> -> memref<8x128xf32, #tpu.memory_space<vmem>>
    %dma_start3A_53 = tpu.memref_slice %arg2[%multiple_of3A_45, %multiple_of3A_42] : memref<2048x32000xf32, #tpu.memory_space<hbm>> -> memref<8x128xf32, #tpu.memory_space<hbm>>
    tpu.enqueue_dma source(%dma_start3A_53 : memref<8x128xf32, #tpu.memory_space<hbm>>) target(%dma_start3A_52 : memref<8x128xf32, #tpu.memory_space<vmem>>) target_semaphore(%arg10 : memref<!tpu.dma_semaphore, #tpu.memory_space<semaphore_mem>>)
    %slice3A_54 = vector.extract_strided_slice %get3A_39 {offsets = [1], sizes = [1], strides = [1]} : vector<16xi32> to vector<1xi32>
    %squeeze3A_55 = vector.extract %slice3A_54[0] : i32 from vector<1xi32>
    %shift_right_arithmetic3A_56 = arith.constant 7 : i32
    %shift_right_arithmetic3A_57 = arith.shrsi %squeeze3A_55, %shift_right_arithmetic3A_56 : i32
    %shift_left3A_58 = arith.constant 7 : i32
    %shift_left3A_59 = arith.shli %shift_right_arithmetic3A_57, %shift_left3A_58 : i32
    %multiple_of3A_60 = tpu.assume_multiple %shift_left3A_59, 128 : i32
    %add3A_61 = arith.constant 0 : i32
    %add3A_62 = arith.addi %mul3A_2, %add3A_61 : i32
    %multiple_of3A_63 = tpu.assume_multiple %add3A_62, 8 : i32
    %dma_start3A_64 = arith.constant 8 : i32
    %dma_start3A_65 = arith.constant 0 : i32
    %dma_start3A_66 = tpu.memref_slice %arg8[%dma_start3A_64, %dma_start3A_65] : memref<512x128xf32, #tpu.memory_space<vmem>> -> memref<8x128xf32, #tpu.memory_space<vmem>>
    %dma_start3A_67 = tpu.memref_slice %arg2[%multiple_of3A_63, %multiple_of3A_60] : memref<2048x32000xf32, #tpu.memory_space<hbm>> -> memref<8x128xf32, #tpu.memory_space<hbm>>
    %dma_start3A_68 = arith.constant 8 : i32
    %dma_start3A_69 = arith.constant 0 : i32
    %dma_start3A_70 = tpu.memref_slice %arg8[%dma_start3A_68, %dma_start3A_69] : memref<512x128xf32, #tpu.memory_space<vmem>> -> memref<8x128xf32, #tpu.memory_space<vmem>>
    %dma_start3A_71 = tpu.memref_slice %arg2[%multiple_of3A_63, %multiple_of3A_60] : memref<2048x32000xf32, #tpu.memory_space<hbm>> -> memref<8x128xf32, #tpu.memory_space<hbm>>
    tpu.enqueue_dma source(%dma_start3A_71 : memref<8x128xf32, #tpu.memory_space<hbm>>) target(%dma_start3A_70 : memref<8x128xf32, #tpu.memory_space<vmem>>) target_semaphore(%arg10 : memref<!tpu.dma_semaphore, #tpu.memory_space<semaphore_mem>>)
    %slice3A_72 = vector.extract_strided_slice %get3A_39 {offsets = [2], sizes = [1], strides = [1]} : vector<16xi32> to vector<1xi32>
    %squeeze3A_73 = vector.extract %slice3A_72[0] : i32 from vector<1xi32>
    %shift_right_arithmetic3A_74 = arith.constant 7 : i32
    %shift_right_arithmetic3A_75 = arith.shrsi %squeeze3A_73, %shift_right_arithmetic3A_74 : i32
    %shift_left3A_76 = arith.constant 7 : i32
    %shift_left3A_77 = arith.shli %shift_right_arithmetic3A_75, %shift_left3A_76 : i32
    %multiple_of3A_78 = tpu.assume_multiple %shift_left3A_77, 128 : i32
    %add3A_79 = arith.constant 0 : i32
    %add3A_80 = arith.addi %mul3A_2, %add3A_79 : i32
    %multiple_of3A_81 = tpu.assume_multiple %add3A_80, 8 : i32
    %dma_start3A_82 = arith.constant 16 : i32
    %dma_start3A_83 = arith.constant 0 : i32
    %dma_start3A_84 = tpu.memref_slice %arg8[%dma_start3A_82, %dma_start3A_83] : memref<512x128xf32, #tpu.memory_space<vmem>> -> memref<8x128xf32, #tpu.memory_space<vmem>>
    %dma_start3A_85 = tpu.memref_slice %arg2[%multiple_of3A_81, %multiple_of3A_78] : memref<2048x32000xf32, #tpu.memory_space<hbm>> -> memref<8x128xf32, #tpu.memory_space<hbm>>
    %dma_start3A_86 = arith.constant 16 : i32
    %dma_start3A_87 = arith.constant 0 : i32
    %dma_start3A_88 = tpu.memref_slice %arg8[%dma_start3A_86, %dma_start3A_87] : memref<512x128xf32, #tpu.memory_space<vmem>> -> memref<8x128xf32, #tpu.memory_space<vmem>>
    %dma_start3A_89 = tpu.memref_slice %arg2[%multiple_of3A_81, %multiple_of3A_78] : memref<2048x32000xf32, #tpu.memory_space<hbm>> -> memref<8x128xf32, #tpu.memory_space<hbm>>
    tpu.enqueue_dma source(%dma_start3A_89 : memref<8x128xf32, #tpu.memory_space<hbm>>) target(%dma_start3A_88 : memref<8x128xf32, #tpu.memory_space<vmem>>) target_semaphore(%arg10 : memref<!tpu.dma_semaphore, #tpu.memory_space<semaphore_mem>>)
    %slice3A_90 = vector.extract_strided_slice %get3A_39 {offsets = [3], sizes = [1], strides = [1]} : vector<16xi32> to vector<1xi32>
    %squeeze3A_91 = vector.extract %slice3A_90[0] : i32 from vector<1xi32>
    %shift_right_arithmetic3A_92 = arith.constant 7 : i32
    %shift_right_arithmetic3A_93 = arith.shrsi %squeeze3A_91, %shift_right_arithmetic3A_92 : i32
    %shift_left3A_94 = arith.constant 7 : i32
    %shift_left3A_95 = arith.shli %shift_right_arithmetic3A_93, %shift_left3A_94 : i32
    %multiple_of3A_96 = tpu.assume_multiple %shift_left3A_95, 128 : i32
    %add3A_97 = arith.constant 0 : i32
    %add3A_98 = arith.addi %mul3A_2, %add3A_97 : i32
    %multiple_of3A_99 = tpu.assume_multiple %add3A_98, 8 : i32
    %dma_start3A_100 = arith.constant 24 : i32
    %dma_start3A_101 = arith.constant 0 : i32
    %dma_start3A_102 = tpu.memref_slice %arg8[%dma_start3A_100, %dma_start3A_101] : memref<512x128xf32, #tpu.memory_space<vmem>> -> memref<8x128xf32, #tpu.memory_space<vmem>>
    %dma_start3A_103 = tpu.memref_slice %arg2[%multiple_of3A_99, %multiple_of3A_96] : memref<2048x32000xf32, #tpu.memory_space<hbm>> -> memref<8x128xf32, #tpu.memory_space<hbm>>
    %dma_start3A_104 = arith.constant 24 : i32
    %dma_start3A_105 = arith.constant 0 : i32
    %dma_start3A_106 = tpu.memref_slice %arg8[%dma_start3A_104, %dma_start3A_105] : memref<512x128xf32, #tpu.memory_space<vmem>> -> memref<8x128xf32, #tpu.memory_space<vmem>>
    %dma_start3A_107 = tpu.memref_slice %arg2[%multiple_of3A_99, %multiple_of3A_96] : memref<2048x32000xf32, #tpu.memory_space<hbm>> -> memref<8x128xf32, #tpu.memory_space<hbm>>
    tpu.enqueue_dma source(%dma_start3A_107 : memref<8x128xf32, #tpu.memory_space<hbm>>) target(%dma_start3A_106 : memref<8x128xf32, #tpu.memory_space<vmem>>) target_semaphore(%arg10 : memref<!tpu.dma_semaphore, #tpu.memory_space<semaphore_mem>>)
    %slice3A_108 = vector.extract_strided_slice %get3A_39 {offsets = [4], sizes = [1], strides = [1]} : vector<16xi32> to vector<1xi32>
    %squeeze3A_109 = vector.extract %slice3A_108[0] : i32 from vector<1xi32>
    %shift_right_arithmetic3A_110 = arith.constant 7 : i32
    %shift_right_arithmetic3A_111 = arith.shrsi %squeeze3A_109, %shift_right_arithmetic3A_110 : i32
    %shift_left3A_112 = arith.constant 7 : i32
    %shift_left3A_113 = arith.shli %shift_right_arithmetic3A_111, %shift_left3A_112 : i32
    %multiple_of3A_114 = tpu.assume_multiple %shift_left3A_113, 128 : i32
    %add3A_115 = arith.constant 0 : i32
    %add3A_116 = arith.addi %mul3A_2, %add3A_115 : i32
    %multiple_of3A_117 = tpu.assume_multiple %add3A_116, 8 : i32
    %dma_start3A_118 = arith.constant 32 : i32
    %dma_start3A_119 = arith.constant 0 : i32
    %dma_start3A_120 = tpu.memref_slice %arg8[%dma_start3A_118, %dma_start3A_119] : memref<512x128xf32, #tpu.memory_space<vmem>> -> memref<8x128xf32, #tpu.memory_space<vmem>>
    %dma_start3A_121 = tpu.memref_slice %arg2[%multiple_of3A_117, %multiple_of3A_114] : memref<2048x32000xf32, #tpu.memory_space<hbm>> -> memref<8x128xf32, #tpu.memory_space<hbm>>
    %dma_start3A_122 = arith.constant 32 : i32
    %dma_start3A_123 = arith.constant 0 : i32
    %dma_start3A_124 = tpu.memref_slice %arg8[%dma_start3A_122, %dma_start3A_123] : memref<512x128xf32, #tpu.memory_space<vmem>> -> memref<8x128xf32, #tpu.memory_space<vmem>>
    %dma_start3A_125 = tpu.memref_slice %arg2[%multiple_of3A_117, %multiple_of3A_114] : memref<2048x32000xf32, #tpu.memory_space<hbm>> -> memref<8x128xf32, #tpu.memory_space<hbm>>
    tpu.enqueue_dma source(%dma_start3A_125 : memref<8x128xf32, #tpu.memory_space<hbm>>) target(%dma_start3A_124 : memref<8x128xf32, #tpu.memory_space<vmem>>) target_semaphore(%arg10 : memref<!tpu.dma_semaphore, #tpu.memory_space<semaphore_mem>>)
    %slice3A_126 = vector.extract_strided_slice %get3A_39 {offsets = [5], sizes = [1], strides = [1]} : vector<16xi32> to vector<1xi32>
    %squeeze3A_127 = vector.extract %slice3A_126[0] : i32 from vector<1xi32>
    %shift_right_arithmetic3A_128 = arith.constant 7 : i32
    %shift_right_arithmetic3A_129 = arith.shrsi %squeeze3A_127, %shift_right_arithmetic3A_128 : i32
    %shift_left3A_130 = arith.constant 7 : i32
    %shift_left3A_131 = arith.shli %shift_right_arithmetic3A_129, %shift_left3A_130 : i32
    %multiple_of3A_132 = tpu.assume_multiple %shift_left3A_131, 128 : i32
    %add3A_133 = arith.constant 0 : i32
    %add3A_134 = arith.addi %mul3A_2, %add3A_133 : i32
    %multiple_of3A_135 = tpu.assume_multiple %add3A_134, 8 : i32
    %dma_start3A_136 = arith.constant 40 : i32
    %dma_start3A_137 = arith.constant 0 : i32
    %dma_start3A_138 = tpu.memref_slice %arg8[%dma_start3A_136, %dma_start3A_137] : memref<512x128xf32, #tpu.memory_space<vmem>> -> memref<8x128xf32, #tpu.memory_space<vmem>>
    %dma_start3A_139 = tpu.memref_slice %arg2[%multiple_of3A_135, %multiple_of3A_132] : memref<2048x32000xf32, #tpu.memory_space<hbm>> -> memref<8x128xf32, #tpu.memory_space<hbm>>
    %dma_start3A_140 = arith.constant 40 : i32
    %dma_start3A_141 = arith.constant 0 : i32
    %dma_start3A_142 = tpu.memref_slice %arg8[%dma_start3A_140, %dma_start3A_141] : memref<512x128xf32, #tpu.memory_space<vmem>> -> memref<8x128xf32, #tpu.memory_space<vmem>>
    %dma_start3A_143 = tpu.memref_slice %arg2[%multiple_of3A_135, %multiple_of3A_132] : memref<2048x32000xf32, #tpu.memory_space<hbm>> -> memref<8x128xf32, #tpu.memory_space<hbm>>
    tpu.enqueue_dma source(%dma_start3A_143 : memref<8x128xf32, #tpu.memory_space<hbm>>) target(%dma_start3A_142 : memref<8x128xf32, #tpu.memory_space<vmem>>) target_semaphore(%arg10 : memref<!tpu.dma_semaphore, #tpu.memory_space<semaphore_mem>>)
    %slice3A_144 = vector.extract_strided_slice %get3A_39 {offsets = [6], sizes = [1], strides = [1]} : vector<16xi32> to vector<1xi32>
    %squeeze3A_145 = vector.extract %slice3A_144[0] : i32 from vector<1xi32>
    %shift_right_arithmetic3A_146 = arith.constant 7 : i32
    %shift_right_arithmetic3A_147 = arith.shrsi %squeeze3A_145, %shift_right_arithmetic3A_146 : i32
    %shift_left3A_148 = arith.constant 7 : i32
    %shift_left3A_149 = arith.shli %shift_right_arithmetic3A_147, %shift_left3A_148 : i32
    %multiple_of3A_150 = tpu.assume_multiple %shift_left3A_149, 128 : i32
    %add3A_151 = arith.constant 0 : i32
    %add3A_152 = arith.addi %mul3A_2, %add3A_151 : i32
    %multiple_of3A_153 = tpu.assume_multiple %add3A_152, 8 : i32
    %dma_start3A_154 = arith.constant 48 : i32
    %dma_start3A_155 = arith.constant 0 : i32
    %dma_start3A_156 = tpu.memref_slice %arg8[%dma_start3A_154, %dma_start3A_155] : memref<512x128xf32, #tpu.memory_space<vmem>> -> memref<8x128xf32, #tpu.memory_space<vmem>>
    %dma_start3A_157 = tpu.memref_slice %arg2[%multiple_of3A_153, %multiple_of3A_150] : memref<2048x32000xf32, #tpu.memory_space<hbm>> -> memref<8x128xf32, #tpu.memory_space<hbm>>
    %dma_start3A_158 = arith.constant 48 : i32
    %dma_start3A_159 = arith.constant 0 : i32
    %dma_start3A_160 = tpu.memref_slice %arg8[%dma_start3A_158, %dma_start3A_159] : memref<512x128xf32, #tpu.memory_space<vmem>> -> memref<8x128xf32, #tpu.memory_space<vmem>>
    %dma_start3A_161 = tpu.memref_slice %arg2[%multiple_of3A_153, %multiple_of3A_150] : memref<2048x32000xf32, #tpu.memory_space<hbm>> -> memref<8x128xf32, #tpu.memory_space<hbm>>
    tpu.enqueue_dma source(%dma_start3A_161 : memref<8x128xf32, #tpu.memory_space<hbm>>) target(%dma_start3A_160 : memref<8x128xf32, #tpu.memory_space<vmem>>) target_semaphore(%arg10 : memref<!tpu.dma_semaphore, #tpu.memory_space<semaphore_mem>>)
    %slice3A_162 = vector.extract_strided_slice %get3A_39 {offsets = [7], sizes = [1], strides = [1]} : vector<16xi32> to vector<1xi32>
    %squeeze3A_163 = vector.extract %slice3A_162[0] : i32 from vector<1xi32>
    %shift_right_arithmetic3A_164 = arith.constant 7 : i32
    %shift_right_arithmetic3A_165 = arith.shrsi %squeeze3A_163, %shift_right_arithmetic3A_164 : i32
    %shift_left3A_166 = arith.constant 7 : i32
    %shift_left3A_167 = arith.shli %shift_right_arithmetic3A_165, %shift_left3A_166 : i32
    %multiple_of3A_168 = tpu.assume_multiple %shift_left3A_167, 128 : i32
    %add3A_169 = arith.constant 0 : i32
    %add3A_170 = arith.addi %mul3A_2, %add3A_169 : i32
    %multiple_of3A_171 = tpu.assume_multiple %add3A_170, 8 : i32
    %dma_start3A_172 = arith.constant 56 : i32
    %dma_start3A_173 = arith.constant 0 : i32
    %dma_start3A_174 = tpu.memref_slice %arg8[%dma_start3A_172, %dma_start3A_173] : memref<512x128xf32, #tpu.memory_space<vmem>> -> memref<8x128xf32, #tpu.memory_space<vmem>>
    %dma_start3A_175 = tpu.memref_slice %arg2[%multiple_of3A_171, %multiple_of3A_168] : memref<2048x32000xf32, #tpu.memory_space<hbm>> -> memref<8x128xf32, #tpu.memory_space<hbm>>
    %dma_start3A_176 = arith.constant 56 : i32
    %dma_start3A_177 = arith.constant 0 : i32
    %dma_start3A_178 = tpu.memref_slice %arg8[%dma_start3A_176, %dma_start3A_177] : memref<512x128xf32, #tpu.memory_space<vmem>> -> memref<8x128xf32, #tpu.memory_space<vmem>>
    %dma_start3A_179 = tpu.memref_slice %arg2[%multiple_of3A_171, %multiple_of3A_168] : memref<2048x32000xf32, #tpu.memory_space<hbm>> -> memref<8x128xf32, #tpu.memory_space<hbm>>
    tpu.enqueue_dma source(%dma_start3A_179 : memref<8x128xf32, #tpu.memory_space<hbm>>) target(%dma_start3A_178 : memref<8x128xf32, #tpu.memory_space<vmem>>) target_semaphore(%arg10 : memref<!tpu.dma_semaphore, #tpu.memory_space<semaphore_mem>>)
    %slice3A_180 = vector.extract_strided_slice %get3A_39 {offsets = [8], sizes = [1], strides = [1]} : vector<16xi32> to vector<1xi32>
    %squeeze3A_181 = vector.extract %slice3A_180[0] : i32 from vector<1xi32>
    %shift_right_arithmetic3A_182 = arith.constant 7 : i32
    %shift_right_arithmetic3A_183 = arith.shrsi %squeeze3A_181, %shift_right_arithmetic3A_182 : i32
    %shift_left3A_184 = arith.constant 7 : i32
    %shift_left3A_185 = arith.shli %shift_right_arithmetic3A_183, %shift_left3A_184 : i32
    %multiple_of3A_186 = tpu.assume_multiple %shift_left3A_185, 128 : i32
    %add3A_187 = arith.constant 8 : i32
    %add3A_188 = arith.addi %mul3A_2, %add3A_187 : i32
    %multiple_of3A_189 = tpu.assume_multiple %add3A_188, 8 : i32
    %dma_start3A_190 = arith.constant 64 : i32
    %dma_start3A_191 = arith.constant 0 : i32
    %dma_start3A_192 = tpu.memref_slice %arg8[%dma_start3A_190, %dma_start3A_191] : memref<512x128xf32, #tpu.memory_space<vmem>> -> memref<8x128xf32, #tpu.memory_space<vmem>>
    %dma_start3A_193 = tpu.memref_slice %arg2[%multiple_of3A_189, %multiple_of3A_186] : memref<2048x32000xf32, #tpu.memory_space<hbm>> -> memref<8x128xf32, #tpu.memory_space<hbm>>
    %dma_start3A_194 = arith.constant 64 : i32
    %dma_start3A_195 = arith.constant 0 : i32
    %dma_start3A_196 = tpu.memref_slice %arg8[%dma_start3A_194, %dma_start3A_195] : memref<512x128xf32, #tpu.memory_space<vmem>> -> memref<8x128xf32, #tpu.memory_space<vmem>>
    %dma_start3A_197 = tpu.memref_slice %arg2[%multiple_of3A_189, %multiple_of3A_186] : memref<2048x32000xf32, #tpu.memory_space<hbm>> -> memref<8x128xf32, #tpu.memory_space<hbm>>
    tpu.enqueue_dma source(%dma_start3A_197 : memref<8x128xf32, #tpu.memory_space<hbm>>) target(%dma_start3A_196 : memref<8x128xf32, #tpu.memory_space<vmem>>) target_semaphore(%arg10 : memref<!tpu.dma_semaphore, #tpu.memory_space<semaphore_mem>>)
    %slice3A_198 = vector.extract_strided_slice %get3A_39 {offsets = [9], sizes = [1], strides = [1]} : vector<16xi32> to vector<1xi32>
    %squeeze3A_199 = vector.extract %slice3A_198[0] : i32 from vector<1xi32>
    %shift_right_arithmetic3A_200 = arith.constant 7 : i32
    %shift_right_arithmetic3A_201 = arith.shrsi %squeeze3A_199, %shift_right_arithmetic3A_200 : i32
    %shift_left3A_202 = arith.constant 7 : i32
    %shift_left3A_203 = arith.shli %shift_right_arithmetic3A_201, %shift_left3A_202 : i32
    %multiple_of3A_204 = tpu.assume_multiple %shift_left3A_203, 128 : i32
    %add3A_205 = arith.constant 8 : i32
    %add3A_206 = arith.addi %mul3A_2, %add3A_205 : i32
    %multiple_of3A_207 = tpu.assume_multiple %add3A_206, 8 : i32
    %dma_start3A_208 = arith.constant 72 : i32
    %dma_start3A_209 = arith.constant 0 : i32
    %dma_start3A_210 = tpu.memref_slice %arg8[%dma_start3A_208, %dma_start3A_209] : memref<512x128xf32, #tpu.memory_space<vmem>> -> memref<8x128xf32, #tpu.memory_space<vmem>>
    %dma_start3A_211 = tpu.memref_slice %arg2[%multiple_of3A_207, %multiple_of3A_204] : memref<2048x32000xf32, #tpu.memory_space<hbm>> -> memref<8x128xf32, #tpu.memory_space<hbm>>
    %dma_start3A_212 = arith.constant 72 : i32
    %dma_start3A_213 = arith.constant 0 : i32
    %dma_start3A_214 = tpu.memref_slice %arg8[%dma_start3A_212, %dma_start3A_213] : memref<512x128xf32, #tpu.memory_space<vmem>> -> memref<8x128xf32, #tpu.memory_space<vmem>>
    %dma_start3A_215 = tpu.memref_slice %arg2[%multiple_of3A_207, %multiple_of3A_204] : memref<2048x32000xf32, #tpu.memory_space<hbm>> -> memref<8x128xf32, #tpu.memory_space<hbm>>
    tpu.enqueue_dma source(%dma_start3A_215 : memref<8x128xf32, #tpu.memory_space<hbm>>) target(%dma_start3A_214 : memref<8x128xf32, #tpu.memory_space<vmem>>) target_semaphore(%arg10 : memref<!tpu.dma_semaphore, #tpu.memory_space<semaphore_mem>>)
    %slice3A_216 = vector.extract_strided_slice %get3A_39 {offsets = [10], sizes = [1], strides = [1]} : vector<16xi32> to vector<1xi32>
    %squeeze3A_217 = vector.extract %slice3A_216[0] : i32 from vector<1xi32>
    %shift_right_arithmetic3A_218 = arith.constant 7 : i32
    %shift_right_arithmetic3A_219 = arith.shrsi %squeeze3A_217, %shift_right_arithmetic3A_218 : i32
    %shift_left3A_220 = arith.constant 7 : i32
    %shift_left3A_221 = arith.shli %shift_right_arithmetic3A_219, %shift_left3A_220 : i32
    %multiple_of3A_222 = tpu.assume_multiple %shift_left3A_221, 128 : i32
    %add3A_223 = arith.constant 8 : i32
    %add3A_224 = arith.addi %mul3A_2, %add3A_223 : i32
    %multiple_of3A_225 = tpu.assume_multiple %add3A_224, 8 : i32
    %dma_start3A_226 = arith.constant 80 : i32
    %dma_start3A_227 = arith.constant 0 : i32
    %dma_start3A_228 = tpu.memref_slice %arg8[%dma_start3A_226, %dma_start3A_227] : memref<512x128xf32, #tpu.memory_space<vmem>> -> memref<8x128xf32, #tpu.memory_space<vmem>>
    %dma_start3A_229 = tpu.memref_slice %arg2[%multiple_of3A_225, %multiple_of3A_222] : memref<2048x32000xf32, #tpu.memory_space<hbm>> -> memref<8x128xf32, #tpu.memory_space<hbm>>
    %dma_start3A_230 = arith.constant 80 : i32
    %dma_start3A_231 = arith.constant 0 : i32
    %dma_start3A_232 = tpu.memref_slice %arg8[%dma_start3A_230, %dma_start3A_231] : memref<512x128xf32, #tpu.memory_space<vmem>> -> memref<8x128xf32, #tpu.memory_space<vmem>>
    %dma_start3A_233 = tpu.memref_slice %arg2[%multiple_of3A_225, %multiple_of3A_222] : memref<2048x32000xf32, #tpu.memory_space<hbm>> -> memref<8x128xf32, #tpu.memory_space<hbm>>
    tpu.enqueue_dma source(%dma_start3A_233 : memref<8x128xf32, #tpu.memory_space<hbm>>) target(%dma_start3A_232 : memref<8x128xf32, #tpu.memory_space<vmem>>) target_semaphore(%arg10 : memref<!tpu.dma_semaphore, #tpu.memory_space<semaphore_mem>>)
    %slice3A_234 = vector.extract_strided_slice %get3A_39 {offsets = [11], sizes = [1], strides = [1]} : vector<16xi32> to vector<1xi32>
    %squeeze3A_235 = vector.extract %slice3A_234[0] : i32 from vector<1xi32>
    %shift_right_arithmetic3A_236 = arith.constant 7 : i32
    %shift_right_arithmetic3A_237 = arith.shrsi %squeeze3A_235, %shift_right_arithmetic3A_236 : i32
    %shift_left3A_238 = arith.constant 7 : i32
    %shift_left3A_239 = arith.shli %shift_right_arithmetic3A_237, %shift_left3A_238 : i32
    %multiple_of3A_240 = tpu.assume_multiple %shift_left3A_239, 128 : i32
    %add3A_241 = arith.constant 8 : i32
    %add3A_242 = arith.addi %mul3A_2, %add3A_241 : i32
    %multiple_of3A_243 = tpu.assume_multiple %add3A_242, 8 : i32
    %dma_start3A_244 = arith.constant 88 : i32
    %dma_start3A_245 = arith.constant 0 : i32
    %dma_start3A_246 = tpu.memref_slice %arg8[%dma_start3A_244, %dma_start3A_245] : memref<512x128xf32, #tpu.memory_space<vmem>> -> memref<8x128xf32, #tpu.memory_space<vmem>>
    %dma_start3A_247 = tpu.memref_slice %arg2[%multiple_of3A_243, %multiple_of3A_240] : memref<2048x32000xf32, #tpu.memory_space<hbm>> -> memref<8x128xf32, #tpu.memory_space<hbm>>
    %dma_start3A_248 = arith.constant 88 : i32
    %dma_start3A_249 = arith.constant 0 : i32
    %dma_start3A_250 = tpu.memref_slice %arg8[%dma_start3A_248, %dma_start3A_249] : memref<512x128xf32, #tpu.memory_space<vmem>> -> memref<8x128xf32, #tpu.memory_space<vmem>>
    %dma_start3A_251 = tpu.memref_slice %arg2[%multiple_of3A_243, %multiple_of3A_240] : memref<2048x32000xf32, #tpu.memory_space<hbm>> -> memref<8x128xf32, #tpu.memory_space<hbm>>
    tpu.enqueue_dma source(%dma_start3A_251 : memref<8x128xf32, #tpu.memory_space<hbm>>) target(%dma_start3A_250 : memref<8x128xf32, #tpu.memory_space<vmem>>) target_semaphore(%arg10 : memref<!tpu.dma_semaphore, #tpu.memory_space<semaphore_mem>>)
    %slice3A_252 = vector.extract_strided_slice %get3A_39 {offsets = [12], sizes = [1], strides = [1]} : vector<16xi32> to vector<1xi32>
    %squeeze3A_253 = vector.extract %slice3A_252[0] : i32 from vector<1xi32>
    %shift_right_arithmetic3A_254 = arith.constant 7 : i32
    %shift_right_arithmetic3A_255 = arith.shrsi %squeeze3A_253, %shift_right_arithmetic3A_254 : i32
    %shift_left3A_256 = arith.constant 7 : i32
    %shift_left3A_257 = arith.shli %shift_right_arithmetic3A_255, %shift_left3A_256 : i32
    %multiple_of3A_258 = tpu.assume_multiple %shift_left3A_257, 128 : i32
    %add3A_259 = arith.constant 8 : i32
    %add3A_260 = arith.addi %mul3A_2, %add3A_259 : i32
    %multiple_of3A_261 = tpu.assume_multiple %add3A_260, 8 : i32
    %dma_start3A_262 = arith.constant 96 : i32
    %dma_start3A_263 = arith.constant 0 : i32
    %dma_start3A_264 = tpu.memref_slice %arg8[%dma_start3A_262, %dma_start3A_263] : memref<512x128xf32, #tpu.memory_space<vmem>> -> memref<8x128xf32, #tpu.memory_space<vmem>>
    %dma_start3A_265 = tpu.memref_slice %arg2[%multiple_of3A_261, %multiple_of3A_258] : memref<2048x32000xf32, #tpu.memory_space<hbm>> -> memref<8x128xf32, #tpu.memory_space<hbm>>
    %dma_start3A_266 = arith.constant 96 : i32
    %dma_start3A_267 = arith.constant 0 : i32
    %dma_start3A_268 = tpu.memref_slice %arg8[%dma_start3A_266, %dma_start3A_267] : memref<512x128xf32, #tpu.memory_space<vmem>> -> memref<8x128xf32, #tpu.memory_space<vmem>>
    %dma_start3A_269 = tpu.memref_slice %arg2[%multiple_of3A_261, %multiple_of3A_258] : memref<2048x32000xf32, #tpu.memory_space<hbm>> -> memref<8x128xf32, #tpu.memory_space<hbm>>
    tpu.enqueue_dma source(%dma_start3A_269 : memref<8x128xf32, #tpu.memory_space<hbm>>) target(%dma_start3A_268 : memref<8x128xf32, #tpu.memory_space<vmem>>) target_semaphore(%arg10 : memref<!tpu.dma_semaphore, #tpu.memory_space<semaphore_mem>>)
    %slice3A_270 = vector.extract_strided_slice %get3A_39 {offsets = [13], sizes = [1], strides = [1]} : vector<16xi32> to vector<1xi32>
    %squeeze3A_271 = vector.extract %slice3A_270[0] : i32 from vector<1xi32>
    %shift_right_arithmetic3A_272 = arith.constant 7 : i32
    %shift_right_arithmetic3A_273 = arith.shrsi %squeeze3A_271, %shift_right_arithmetic3A_272 : i32
    %shift_left3A_274 = arith.constant 7 : i32
    %shift_left3A_275 = arith.shli %shift_right_arithmetic3A_273, %shift_left3A_274 : i32
    %multiple_of3A_276 = tpu.assume_multiple %shift_left3A_275, 128 : i32
    %add3A_277 = arith.constant 8 : i32
    %add3A_278 = arith.addi %mul3A_2, %add3A_277 : i32
    %multiple_of3A_279 = tpu.assume_multiple %add3A_278, 8 : i32
    %dma_start3A_280 = arith.constant 104 : i32
    %dma_start3A_281 = arith.constant 0 : i32
    %dma_start3A_282 = tpu.memref_slice %arg8[%dma_start3A_280, %dma_start3A_281] : memref<512x128xf32, #tpu.memory_space<vmem>> -> memref<8x128xf32, #tpu.memory_space<vmem>>
    %dma_start3A_283 = tpu.memref_slice %arg2[%multiple_of3A_279, %multiple_of3A_276] : memref<2048x32000xf32, #tpu.memory_space<hbm>> -> memref<8x128xf32, #tpu.memory_space<hbm>>
    %dma_start3A_284 = arith.constant 104 : i32
    %dma_start3A_285 = arith.constant 0 : i32
    %dma_start3A_286 = tpu.memref_slice %arg8[%dma_start3A_284, %dma_start3A_285] : memref<512x128xf32, #tpu.memory_space<vmem>> -> memref<8x128xf32, #tpu.memory_space<vmem>>
    %dma_start3A_287 = tpu.memref_slice %arg2[%multiple_of3A_279, %multiple_of3A_276] : memref<2048x32000xf32, #tpu.memory_space<hbm>> -> memref<8x128xf32, #tpu.memory_space<hbm>>
    tpu.enqueue_dma source(%dma_start3A_287 : memref<8x128xf32, #tpu.memory_space<hbm>>) target(%dma_start3A_286 : memref<8x128xf32, #tpu.memory_space<vmem>>) target_semaphore(%arg10 : memref<!tpu.dma_semaphore, #tpu.memory_space<semaphore_mem>>)
    %slice3A_288 = vector.extract_strided_slice %get3A_39 {offsets = [14], sizes = [1], strides = [1]} : vector<16xi32> to vector<1xi32>
    %squeeze3A_289 = vector.extract %slice3A_288[0] : i32 from vector<1xi32>
    %shift_right_arithmetic3A_290 = arith.constant 7 : i32
    %shift_right_arithmetic3A_291 = arith.shrsi %squeeze3A_289, %shift_right_arithmetic3A_290 : i32
    %shift_left3A_292 = arith.constant 7 : i32
    %shift_left3A_293 = arith.shli %shift_right_arithmetic3A_291, %shift_left3A_292 : i32
    %multiple_of3A_294 = tpu.assume_multiple %shift_left3A_293, 128 : i32
    %add3A_295 = arith.constant 8 : i32
    %add3A_296 = arith.addi %mul3A_2, %add3A_295 : i32
    %multiple_of3A_297 = tpu.assume_multiple %add3A_296, 8 : i32
    %dma_start3A_298 = arith.constant 112 : i32
    %dma_start3A_299 = arith.constant 0 : i32
    %dma_start3A_300 = tpu.memref_slice %arg8[%dma_start3A_298, %dma_start3A_299] : memref<512x128xf32, #tpu.memory_space<vmem>> -> memref<8x128xf32, #tpu.memory_space<vmem>>
    %dma_start3A_301 = tpu.memref_slice %arg2[%multiple_of3A_297, %multiple_of3A_294] : memref<2048x32000xf32, #tpu.memory_space<hbm>> -> memref<8x128xf32, #tpu.memory_space<hbm>>
    %dma_start3A_302 = arith.constant 112 : i32
    %dma_start3A_303 = arith.constant 0 : i32
    %dma_start3A_304 = tpu.memref_slice %arg8[%dma_start3A_302, %dma_start3A_303] : memref<512x128xf32, #tpu.memory_space<vmem>> -> memref<8x128xf32, #tpu.memory_space<vmem>>
    %dma_start3A_305 = tpu.memref_slice %arg2[%multiple_of3A_297, %multiple_of3A_294] : memref<2048x32000xf32, #tpu.memory_space<hbm>> -> memref<8x128xf32, #tpu.memory_space<hbm>>
    tpu.enqueue_dma source(%dma_start3A_305 : memref<8x128xf32, #tpu.memory_space<hbm>>) target(%dma_start3A_304 : memref<8x128xf32, #tpu.memory_space<vmem>>) target_semaphore(%arg10 : memref<!tpu.dma_semaphore, #tpu.memory_space<semaphore_mem>>)
    %slice3A_306 = vector.extract_strided_slice %get3A_39 {offsets = [15], sizes = [1], strides = [1]} : vector<16xi32> to vector<1xi32>
    %squeeze3A_307 = vector.extract %slice3A_306[0] : i32 from vector<1xi32>
    %shift_right_arithmetic3A_308 = arith.constant 7 : i32
    %shift_right_arithmetic3A_309 = arith.shrsi %squeeze3A_307, %shift_right_arithmetic3A_308 : i32
    %shift_left3A_310 = arith.constant 7 : i32
    %shift_left3A_311 = arith.shli %shift_right_arithmetic3A_309, %shift_left3A_310 : i32
    %multiple_of3A_312 = tpu.assume_multiple %shift_left3A_311, 128 : i32
    %add3A_313 = arith.constant 8 : i32
    %add3A_314 = arith.addi %mul3A_2, %add3A_313 : i32
    %multiple_of3A_315 = tpu.assume_multiple %add3A_314, 8 : i32
    %dma_start3A_316 = arith.constant 120 : i32
    %dma_start3A_317 = arith.constant 0 : i32
    %dma_start3A_318 = tpu.memref_slice %arg8[%dma_start3A_316, %dma_start3A_317] : memref<512x128xf32, #tpu.memory_space<vmem>> -> memref<8x128xf32, #tpu.memory_space<vmem>>
    %dma_start3A_319 = tpu.memref_slice %arg2[%multiple_of3A_315, %multiple_of3A_312] : memref<2048x32000xf32, #tpu.memory_space<hbm>> -> memref<8x128xf32, #tpu.memory_space<hbm>>
    %dma_start3A_320 = arith.constant 120 : i32
    %dma_start3A_321 = arith.constant 0 : i32
    %dma_start3A_322 = tpu.memref_slice %arg8[%dma_start3A_320, %dma_start3A_321] : memref<512x128xf32, #tpu.memory_space<vmem>> -> memref<8x128xf32, #tpu.memory_space<vmem>>
    %dma_start3A_323 = tpu.memref_slice %arg2[%multiple_of3A_315, %multiple_of3A_312] : memref<2048x32000xf32, #tpu.memory_space<hbm>> -> memref<8x128xf32, #tpu.memory_space<hbm>>
    tpu.enqueue_dma source(%dma_start3A_323 : memref<8x128xf32, #tpu.memory_space<hbm>>) target(%dma_start3A_322 : memref<8x128xf32, #tpu.memory_space<vmem>>) target_semaphore(%arg10 : memref<!tpu.dma_semaphore, #tpu.memory_space<semaphore_mem>>)
    %add3A_324 = arith.constant 0 : i32
    %add3A_325 = arith.addi %sub3A_25, %add3A_324 : i32
    %get3A_326 = arith.index_cast %add3A_325 : i32 to index
    %get3A_327 = arith.constant 16 : index
    %get3A_328 = tpu.vector_load %arg6[%get3A_326, %get3A_327] {strides = array<i32>} : memref<8x32xi32, #tpu.memory_space<vmem>>, vector<16xi32>,
    %slice3A_329 = vector.extract_strided_slice %get3A_328 {offsets = [0], sizes = [1], strides = [1]} : vector<16xi32> to vector<1xi32>
    %squeeze3A_330 = vector.extract %slice3A_329[0] : i32 from vector<1xi32>
    %shift_right_arithmetic3A_331 = arith.constant 7 : i32
    %shift_right_arithmetic3A_332 = arith.shrsi %squeeze3A_330, %shift_right_arithmetic3A_331 : i32
    %shift_left3A_333 = arith.constant 7 : i32
    %shift_left3A_334 = arith.shli %shift_right_arithmetic3A_332, %shift_left3A_333 : i32
    %multiple_of3A_335 = tpu.assume_multiple %shift_left3A_334, 128 : i32
    %add3A_336 = arith.constant 16 : i32
    %add3A_337 = arith.addi %mul3A_2, %add3A_336 : i32
    %multiple_of3A_338 = tpu.assume_multiple %add3A_337, 8 : i32
    %dma_start3A_339 = arith.constant 128 : i32
    %dma_start3A_340 = arith.constant 0 : i32
    %dma_start3A_341 = tpu.memref_slice %arg8[%dma_start3A_339, %dma_start3A_340] : memref<512x128xf32, #tpu.memory_space<vmem>> -> memref<8x128xf32, #tpu.memory_space<vmem>>
    %dma_start3A_342 = tpu.memref_slice %arg2[%multiple_of3A_338, %multiple_of3A_335] : memref<2048x32000xf32, #tpu.memory_space<hbm>> -> memref<8x128xf32, #tpu.memory_space<hbm>>
    %dma_start3A_343 = arith.constant 128 : i32
    %dma_start3A_344 = arith.constant 0 : i32
    %dma_start3A_345 = tpu.memref_slice %arg8[%dma_start3A_343, %dma_start3A_344] : memref<512x128xf32, #tpu.memory_space<vmem>> -> memref<8x128xf32, #tpu.memory_space<vmem>>
    %dma_start3A_346 = tpu.memref_slice %arg2[%multiple_of3A_338, %multiple_of3A_335] : memref<2048x32000xf32, #tpu.memory_space<hbm>> -> memref<8x128xf32, #tpu.memory_space<hbm>>
    tpu.enqueue_dma source(%dma_start3A_346 : memref<8x128xf32, #tpu.memory_space<hbm>>) target(%dma_start3A_345 : memref<8x128xf32, #tpu.memory_space<vmem>>) target_semaphore(%arg10 : memref<!tpu.dma_semaphore, #tpu.memory_space<semaphore_mem>>)
    %slice3A_347 = vector.extract_strided_slice %get3A_328 {offsets = [1], sizes = [1], strides = [1]} : vector<16xi32> to vector<1xi32>
    %squeeze3A_348 = vector.extract %slice3A_347[0] : i32 from vector<1xi32>
    %shift_right_arithmetic3A_349 = arith.constant 7 : i32
    %shift_right_arithmetic3A_350 = arith.shrsi %squeeze3A_348, %shift_right_arithmetic3A_349 : i32
    %shift_left3A_351 = arith.constant 7 : i32
    %shift_left3A_352 = arith.shli %shift_right_arithmetic3A_350, %shift_left3A_351 : i32
    %multiple_of3A_353 = tpu.assume_multiple %shift_left3A_352, 128 : i32
    %add3A_354 = arith.constant 16 : i32
    %add3A_355 = arith.addi %mul3A_2, %add3A_354 : i32
    %multiple_of3A_356 = tpu.assume_multiple %add3A_355, 8 : i32
    %dma_start3A_357 = arith.constant 136 : i32
    %dma_start3A_358 = arith.constant 0 : i32
    %dma_start3A_359 = tpu.memref_slice %arg8[%dma_start3A_357, %dma_start3A_358] : memref<512x128xf32, #tpu.memory_space<vmem>> -> memref<8x128xf32, #tpu.memory_space<vmem>>
    %dma_start3A_360 = tpu.memref_slice %arg2[%multiple_of3A_356, %multiple_of3A_353] : memref<2048x32000xf32, #tpu.memory_space<hbm>> -> memref<8x128xf32, #tpu.memory_space<hbm>>
    %dma_start3A_361 = arith.constant 136 : i32
    %dma_start3A_362 = arith.constant 0 : i32
    %dma_start3A_363 = tpu.memref_slice %arg8[%dma_start3A_361, %dma_start3A_362] : memref<512x128xf32, #tpu.memory_space<vmem>> -> memref<8x128xf32, #tpu.memory_space<vmem>>
    %dma_start3A_364 = tpu.memref_slice %arg2[%multiple_of3A_356, %multiple_of3A_353] : memref<2048x32000xf32, #tpu.memory_space<hbm>> -> memref<8x128xf32, #tpu.memory_space<hbm>>
    tpu.enqueue_dma source(%dma_start3A_364 : memref<8x128xf32, #tpu.memory_space<hbm>>) target(%dma_start3A_363 : memref<8x128xf32, #tpu.memory_space<vmem>>) target_semaphore(%arg10 : memref<!tpu.dma_semaphore, #tpu.memory_space<semaphore_mem>>)
    %slice3A_365 = vector.extract_strided_slice %get3A_328 {offsets = [2], sizes = [1], strides = [1]} : vector<16xi32> to vector<1xi32>
    %squeeze3A_366 = vector.extract %slice3A_365[0] : i32 from vector<1xi32>
    %shift_right_arithmetic3A_367 = arith.constant 7 : i32
    %shift_right_arithmetic3A_368 = arith.shrsi %squeeze3A_366, %shift_right_arithmetic3A_367 : i32
    %shift_left3A_369 = arith.constant 7 : i32
    %shift_left3A_370 = arith.shli %shift_right_arithmetic3A_368, %shift_left3A_369 : i32
    %multiple_of3A_371 = tpu.assume_multiple %shift_left3A_370, 128 : i32
    %add3A_372 = arith.constant 16 : i32
    %add3A_373 = arith.addi %mul3A_2, %add3A_372 : i32
    %multiple_of3A_374 = tpu.assume_multiple %add3A_373, 8 : i32
    %dma_start3A_375 = arith.constant 144 : i32
    %dma_start3A_376 = arith.constant 0 : i32
    %dma_start3A_377 = tpu.memref_slice %arg8[%dma_start3A_375, %dma_start3A_376] : memref<512x128xf32, #tpu.memory_space<vmem>> -> memref<8x128xf32, #tpu.memory_space<vmem>>
    %dma_start3A_378 = tpu.memref_slice %arg2[%multiple_of3A_374, %multiple_of3A_371] : memref<2048x32000xf32, #tpu.memory_space<hbm>> -> memref<8x128xf32, #tpu.memory_space<hbm>>
    %dma_start3A_379 = arith.constant 144 : i32
    %dma_start3A_380 = arith.constant 0 : i32
    %dma_start3A_381 = tpu.memref_slice %arg8[%dma_start3A_379, %dma_start3A_380] : memref<512x128xf32, #tpu.memory_space<vmem>> -> memref<8x128xf32, #tpu.memory_space<vmem>>
    %dma_start3A_382 = tpu.memref_slice %arg2[%multiple_of3A_374, %multiple_of3A_371] : memref<2048x32000xf32, #tpu.memory_space<hbm>> -> memref<8x128xf32, #tpu.memory_space<hbm>>
    tpu.enqueue_dma source(%dma_start3A_382 : memref<8x128xf32, #tpu.memory_space<hbm>>) target(%dma_start3A_381 : memref<8x128xf32, #tpu.memory_space<vmem>>) target_semaphore(%arg10 : memref<!tpu.dma_semaphore, #tpu.memory_space<semaphore_mem>>)
    %slice3A_383 = vector.extract_strided_slice %get3A_328 {offsets = [3], sizes = [1], strides = [1]} : vector<16xi32> to vector<1xi32>
    %squeeze3A_384 = vector.extract %slice3A_383[0] : i32 from vector<1xi32>
    %shift_right_arithmetic3A_385 = arith.constant 7 : i32
    %shift_right_arithmetic3A_386 = arith.shrsi %squeeze3A_384, %shift_right_arithmetic3A_385 : i32
    %shift_left3A_387 = arith.constant 7 : i32
    %shift_left3A_388 = arith.shli %shift_right_arithmetic3A_386, %shift_left3A_387 : i32
    %multiple_of3A_389 = tpu.assume_multiple %shift_left3A_388, 128 : i32
    %add3A_390 = arith.constant 16 : i32
    %add3A_391 = arith.addi %mul3A_2, %add3A_390 : i32
    %multiple_of3A_392 = tpu.assume_multiple %add3A_391, 8 : i32
    %dma_start3A_393 = arith.constant 152 : i32
    %dma_start3A_394 = arith.constant 0 : i32
    %dma_start3A_395 = tpu.memref_slice %arg8[%dma_start3A_393, %dma_start3A_394] : memref<512x128xf32, #tpu.memory_space<vmem>> -> memref<8x128xf32, #tpu.memory_space<vmem>>
    %dma_start3A_396 = tpu.memref_slice %arg2[%multiple_of3A_392, %multiple_of3A_389] : memref<2048x32000xf32, #tpu.memory_space<hbm>> -> memref<8x128xf32, #tpu.memory_space<hbm>>
    %dma_start3A_397 = arith.constant 152 : i32
    %dma_start3A_398 = arith.constant 0 : i32
    %dma_start3A_399 = tpu.memref_slice %arg8[%dma_start3A_397, %dma_start3A_398] : memref<512x128xf32, #tpu.memory_space<vmem>> -> memref<8x128xf32, #tpu.memory_space<vmem>>
    %dma_start3A_400 = tpu.memref_slice %arg2[%multiple_of3A_392, %multiple_of3A_389] : memref<2048x32000xf32, #tpu.memory_space<hbm>> -> memref<8x128xf32, #tpu.memory_space<hbm>>
    tpu.enqueue_dma source(%dma_start3A_400 : memref<8x128xf32, #tpu.memory_space<hbm>>) target(%dma_start3A_399 : memref<8x128xf32, #tpu.memory_space<vmem>>) target_semaphore(%arg10 : memref<!tpu.dma_semaphore, #tpu.memory_space<semaphore_mem>>)
    %slice3A_401 = vector.extract_strided_slice %get3A_328 {offsets = [4], sizes = [1], strides = [1]} : vector<16xi32> to vector<1xi32>
    %squeeze3A_402 = vector.extract %slice3A_401[0] : i32 from vector<1xi32>
    %shift_right_arithmetic3A_403 = arith.constant 7 : i32
    %shift_right_arithmetic3A_404 = arith.shrsi %squeeze3A_402, %shift_right_arithmetic3A_403 : i32
    %shift_left3A_405 = arith.constant 7 : i32
    %shift_left3A_406 = arith.shli %shift_right_arithmetic3A_404, %shift_left3A_405 : i32
    %multiple_of3A_407 = tpu.assume_multiple %shift_left3A_406, 128 : i32
    %add3A_408 = arith.constant 16 : i32
    %add3A_409 = arith.addi %mul3A_2, %add3A_408 : i32
    %multiple_of3A_410 = tpu.assume_multiple %add3A_409, 8 : i32
    %dma_start3A_411 = arith.constant 160 : i32
    %dma_start3A_412 = arith.constant 0 : i32
    %dma_start3A_413 = tpu.memref_slice %arg8[%dma_start3A_411, %dma_start3A_412] : memref<512x128xf32, #tpu.memory_space<vmem>> -> memref<8x128xf32, #tpu.memory_space<vmem>>
    %dma_start3A_414 = tpu.memref_slice %arg2[%multiple_of3A_410, %multiple_of3A_407] : memref<2048x32000xf32, #tpu.memory_space<hbm>> -> memref<8x128xf32, #tpu.memory_space<hbm>>
    %dma_start3A_415 = arith.constant 160 : i32
    %dma_start3A_416 = arith.constant 0 : i32
    %dma_start3A_417 = tpu.memref_slice %arg8[%dma_start3A_415, %dma_start3A_416] : memref<512x128xf32, #tpu.memory_space<vmem>> -> memref<8x128xf32, #tpu.memory_space<vmem>>
    %dma_start3A_418 = tpu.memref_slice %arg2[%multiple_of3A_410, %multiple_of3A_407] : memref<2048x32000xf32, #tpu.memory_space<hbm>> -> memref<8x128xf32, #tpu.memory_space<hbm>>
    tpu.enqueue_dma source(%dma_start3A_418 : memref<8x128xf32, #tpu.memory_space<hbm>>) target(%dma_start3A_417 : memref<8x128xf32, #tpu.memory_space<vmem>>) target_semaphore(%arg10 : memref<!tpu.dma_semaphore, #tpu.memory_space<semaphore_mem>>)
    %slice3A_419 = vector.extract_strided_slice %get3A_328 {offsets = [5], sizes = [1], strides = [1]} : vector<16xi32> to vector<1xi32>
    %squeeze3A_420 = vector.extract %slice3A_419[0] : i32 from vector<1xi32>
    %shift_right_arithmetic3A_421 = arith.constant 7 : i32
    %shift_right_arithmetic3A_422 = arith.shrsi %squeeze3A_420, %shift_right_arithmetic3A_421 : i32
    %shift_left3A_423 = arith.constant 7 : i32
    %shift_left3A_424 = arith.shli %shift_right_arithmetic3A_422, %shift_left3A_423 : i32
    %multiple_of3A_425 = tpu.assume_multiple %shift_left3A_424, 128 : i32
    %add3A_426 = arith.constant 16 : i32
    %add3A_427 = arith.addi %mul3A_2, %add3A_426 : i32
    %multiple_of3A_428 = tpu.assume_multiple %add3A_427, 8 : i32
    %dma_start3A_429 = arith.constant 168 : i32
    %dma_start3A_430 = arith.constant 0 : i32
    %dma_start3A_431 = tpu.memref_slice %arg8[%dma_start3A_429, %dma_start3A_430] : memref<512x128xf32, #tpu.memory_space<vmem>> -> memref<8x128xf32, #tpu.memory_space<vmem>>
    %dma_start3A_432 = tpu.memref_slice %arg2[%multiple_of3A_428, %multiple_of3A_425] : memref<2048x32000xf32, #tpu.memory_space<hbm>> -> memref<8x128xf32, #tpu.memory_space<hbm>>
    %dma_start3A_433 = arith.constant 168 : i32
    %dma_start3A_434 = arith.constant 0 : i32
    %dma_start3A_435 = tpu.memref_slice %arg8[%dma_start3A_433, %dma_start3A_434] : memref<512x128xf32, #tpu.memory_space<vmem>> -> memref<8x128xf32, #tpu.memory_space<vmem>>
    %dma_start3A_436 = tpu.memref_slice %arg2[%multiple_of3A_428, %multiple_of3A_425] : memref<2048x32000xf32, #tpu.memory_space<hbm>> -> memref<8x128xf32, #tpu.memory_space<hbm>>
    tpu.enqueue_dma source(%dma_start3A_436 : memref<8x128xf32, #tpu.memory_space<hbm>>) target(%dma_start3A_435 : memref<8x128xf32, #tpu.memory_space<vmem>>) target_semaphore(%arg10 : memref<!tpu.dma_semaphore, #tpu.memory_space<semaphore_mem>>)
    %slice3A_437 = vector.extract_strided_slice %get3A_328 {offsets = [6], sizes = [1], strides = [1]} : vector<16xi32> to vector<1xi32>
    %squeeze3A_438 = vector.extract %slice3A_437[0] : i32 from vector<1xi32>
    %shift_right_arithmetic3A_439 = arith.constant 7 : i32
    %shift_right_arithmetic3A_440 = arith.shrsi %squeeze3A_438, %shift_right_arithmetic3A_439 : i32
    %shift_left3A_441 = arith.constant 7 : i32
    %shift_left3A_442 = arith.shli %shift_right_arithmetic3A_440, %shift_left3A_441 : i32
    %multiple_of3A_443 = tpu.assume_multiple %shift_left3A_442, 128 : i32
    %add3A_444 = arith.constant 16 : i32
    %add3A_445 = arith.addi %mul3A_2, %add3A_444 : i32
    %multiple_of3A_446 = tpu.assume_multiple %add3A_445, 8 : i32
    %dma_start3A_447 = arith.constant 176 : i32
    %dma_start3A_448 = arith.constant 0 : i32
    %dma_start3A_449 = tpu.memref_slice %arg8[%dma_start3A_447, %dma_start3A_448] : memref<512x128xf32, #tpu.memory_space<vmem>> -> memref<8x128xf32, #tpu.memory_space<vmem>>
    %dma_start3A_450 = tpu.memref_slice %arg2[%multiple_of3A_446, %multiple_of3A_443] : memref<2048x32000xf32, #tpu.memory_space<hbm>> -> memref<8x128xf32, #tpu.memory_space<hbm>>
    %dma_start3A_451 = arith.constant 176 : i32
    %dma_start3A_452 = arith.constant 0 : i32
    %dma_start3A_453 = tpu.memref_slice %arg8[%dma_start3A_451, %dma_start3A_452] : memref<512x128xf32, #tpu.memory_space<vmem>> -> memref<8x128xf32, #tpu.memory_space<vmem>>
    %dma_start3A_454 = tpu.memref_slice %arg2[%multiple_of3A_446, %multiple_of3A_443] : memref<2048x32000xf32, #tpu.memory_space<hbm>> -> memref<8x128xf32, #tpu.memory_space<hbm>>
    tpu.enqueue_dma source(%dma_start3A_454 : memref<8x128xf32, #tpu.memory_space<hbm>>) target(%dma_start3A_453 : memref<8x128xf32, #tpu.memory_space<vmem>>) target_semaphore(%arg10 : memref<!tpu.dma_semaphore, #tpu.memory_space<semaphore_mem>>)
    %slice3A_455 = vector.extract_strided_slice %get3A_328 {offsets = [7], sizes = [1], strides = [1]} : vector<16xi32> to vector<1xi32>
    %squeeze3A_456 = vector.extract %slice3A_455[0] : i32 from vector<1xi32>
    %shift_right_arithmetic3A_457 = arith.constant 7 : i32
    %shift_right_arithmetic3A_458 = arith.shrsi %squeeze3A_456, %shift_right_arithmetic3A_457 : i32
    %shift_left3A_459 = arith.constant 7 : i32
    %shift_left3A_460 = arith.shli %shift_right_arithmetic3A_458, %shift_left3A_459 : i32
    %multiple_of3A_461 = tpu.assume_multiple %shift_left3A_460, 128 : i32
    %add3A_462 = arith.constant 16 : i32
    %add3A_463 = arith.addi %mul3A_2, %add3A_462 : i32
    %multiple_of3A_464 = tpu.assume_multiple %add3A_463, 8 : i32
    %dma_start3A_465 = arith.constant 184 : i32
    %dma_start3A_466 = arith.constant 0 : i32
    %dma_start3A_467 = tpu.memref_slice %arg8[%dma_start3A_465, %dma_start3A_466] : memref<512x128xf32, #tpu.memory_space<vmem>> -> memref<8x128xf32, #tpu.memory_space<vmem>>
    %dma_start3A_468 = tpu.memref_slice %arg2[%multiple_of3A_464, %multiple_of3A_461] : memref<2048x32000xf32, #tpu.memory_space<hbm>> -> memref<8x128xf32, #tpu.memory_space<hbm>>
    %dma_start3A_469 = arith.constant 184 : i32
    %dma_start3A_470 = arith.constant 0 : i32
    %dma_start3A_471 = tpu.memref_slice %arg8[%dma_start3A_469, %dma_start3A_470] : memref<512x128xf32, #tpu.memory_space<vmem>> -> memref<8x128xf32, #tpu.memory_space<vmem>>
    %dma_start3A_472 = tpu.memref_slice %arg2[%multiple_of3A_464, %multiple_of3A_461] : memref<2048x32000xf32, #tpu.memory_space<hbm>> -> memref<8x128xf32, #tpu.memory_space<hbm>>
    tpu.enqueue_dma source(%dma_start3A_472 : memref<8x128xf32, #tpu.memory_space<hbm>>) target(%dma_start3A_471 : memref<8x128xf32, #tpu.memory_space<vmem>>) target_semaphore(%arg10 : memref<!tpu.dma_semaphore, #tpu.memory_space<semaphore_mem>>)
    %slice3A_473 = vector.extract_strided_slice %get3A_328 {offsets = [8], sizes = [1], strides = [1]} : vector<16xi32> to vector<1xi32>
    %squeeze3A_474 = vector.extract %slice3A_473[0] : i32 from vector<1xi32>
    %shift_right_arithmetic3A_475 = arith.constant 7 : i32
    %shift_right_arithmetic3A_476 = arith.shrsi %squeeze3A_474, %shift_right_arithmetic3A_475 : i32
    %shift_left3A_477 = arith.constant 7 : i32
    %shift_left3A_478 = arith.shli %shift_right_arithmetic3A_476, %shift_left3A_477 : i32
    %multiple_of3A_479 = tpu.assume_multiple %shift_left3A_478, 128 : i32
    %add3A_480 = arith.constant 24 : i32
    %add3A_481 = arith.addi %mul3A_2, %add3A_480 : i32
    %multiple_of3A_482 = tpu.assume_multiple %add3A_481, 8 : i32
    %dma_start3A_483 = arith.constant 192 : i32
    %dma_start3A_484 = arith.constant 0 : i32
    %dma_start3A_485 = tpu.memref_slice %arg8[%dma_start3A_483, %dma_start3A_484] : memref<512x128xf32, #tpu.memory_space<vmem>> -> memref<8x128xf32, #tpu.memory_space<vmem>>
    %dma_start3A_486 = tpu.memref_slice %arg2[%multiple_of3A_482, %multiple_of3A_479] : memref<2048x32000xf32, #tpu.memory_space<hbm>> -> memref<8x128xf32, #tpu.memory_space<hbm>>
    %dma_start3A_487 = arith.constant 192 : i32
    %dma_start3A_488 = arith.constant 0 : i32
    %dma_start3A_489 = tpu.memref_slice %arg8[%dma_start3A_487, %dma_start3A_488] : memref<512x128xf32, #tpu.memory_space<vmem>> -> memref<8x128xf32, #tpu.memory_space<vmem>>
    %dma_start3A_490 = tpu.memref_slice %arg2[%multiple_of3A_482, %multiple_of3A_479] : memref<2048x32000xf32, #tpu.memory_space<hbm>> -> memref<8x128xf32, #tpu.memory_space<hbm>>
    tpu.enqueue_dma source(%dma_start3A_490 : memref<8x128xf32, #tpu.memory_space<hbm>>) target(%dma_start3A_489 : memref<8x128xf32, #tpu.memory_space<vmem>>) target_semaphore(%arg10 : memref<!tpu.dma_semaphore, #tpu.memory_space<semaphore_mem>>)
    %slice3A_491 = vector.extract_strided_slice %get3A_328 {offsets = [9], sizes = [1], strides = [1]} : vector<16xi32> to vector<1xi32>
    %squeeze3A_492 = vector.extract %slice3A_491[0] : i32 from vector<1xi32>
    %shift_right_arithmetic3A_493 = arith.constant 7 : i32
    %shift_right_arithmetic3A_494 = arith.shrsi %squeeze3A_492, %shift_right_arithmetic3A_493 : i32
    %shift_left3A_495 = arith.constant 7 : i32
    %shift_left3A_496 = arith.shli %shift_right_arithmetic3A_494, %shift_left3A_495 : i32
    %multiple_of3A_497 = tpu.assume_multiple %shift_left3A_496, 128 : i32
    %add3A_498 = arith.constant 24 : i32
    %add3A_499 = arith.addi %mul3A_2, %add3A_498 : i32
    %multiple_of3A_500 = tpu.assume_multiple %add3A_499, 8 : i32
    %dma_start3A_501 = arith.constant 200 : i32
    %dma_start3A_502 = arith.constant 0 : i32
    %dma_start3A_503 = tpu.memref_slice %arg8[%dma_start3A_501, %dma_start3A_502] : memref<512x128xf32, #tpu.memory_space<vmem>> -> memref<8x128xf32, #tpu.memory_space<vmem>>
    %dma_start3A_504 = tpu.memref_slice %arg2[%multiple_of3A_500, %multiple_of3A_497] : memref<2048x32000xf32, #tpu.memory_space<hbm>> -> memref<8x128xf32, #tpu.memory_space<hbm>>
    %dma_start3A_505 = arith.constant 200 : i32
    %dma_start3A_506 = arith.constant 0 : i32
    %dma_start3A_507 = tpu.memref_slice %arg8[%dma_start3A_505, %dma_start3A_506] : memref<512x128xf32, #tpu.memory_space<vmem>> -> memref<8x128xf32, #tpu.memory_space<vmem>>
    %dma_start3A_508 = tpu.memref_slice %arg2[%multiple_of3A_500, %multiple_of3A_497] : memref<2048x32000xf32, #tpu.memory_space<hbm>> -> memref<8x128xf32, #tpu.memory_space<hbm>>
    tpu.enqueue_dma source(%dma_start3A_508 : memref<8x128xf32, #tpu.memory_space<hbm>>) target(%dma_start3A_507 : memref<8x128xf32, #tpu.memory_space<vmem>>) target_semaphore(%arg10 : memref<!tpu.dma_semaphore, #tpu.memory_space<semaphore_mem>>)
    %slice3A_509 = vector.extract_strided_slice %get3A_328 {offsets = [10], sizes = [1], strides = [1]} : vector<16xi32> to vector<1xi32>
    %squeeze3A_510 = vector.extract %slice3A_509[0] : i32 from vector<1xi32>
    %shift_right_arithmetic3A_511 = arith.constant 7 : i32
    %shift_right_arithmetic3A_512 = arith.shrsi %squeeze3A_510, %shift_right_arithmetic3A_511 : i32
    %shift_left3A_513 = arith.constant 7 : i32
    %shift_left3A_514 = arith.shli %shift_right_arithmetic3A_512, %shift_left3A_513 : i32
    %multiple_of3A_515 = tpu.assume_multiple %shift_left3A_514, 128 : i32
    %add3A_516 = arith.constant 24 : i32
    %add3A_517 = arith.addi %mul3A_2, %add3A_516 : i32
    %multiple_of3A_518 = tpu.assume_multiple %add3A_517, 8 : i32
    %dma_start3A_519 = arith.constant 208 : i32
    %dma_start3A_520 = arith.constant 0 : i32
    %dma_start3A_521 = tpu.memref_slice %arg8[%dma_start3A_519, %dma_start3A_520] : memref<512x128xf32, #tpu.memory_space<vmem>> -> memref<8x128xf32, #tpu.memory_space<vmem>>
    %dma_start3A_522 = tpu.memref_slice %arg2[%multiple_of3A_518, %multiple_of3A_515] : memref<2048x32000xf32, #tpu.memory_space<hbm>> -> memref<8x128xf32, #tpu.memory_space<hbm>>
    %dma_start3A_523 = arith.constant 208 : i32
    %dma_start3A_524 = arith.constant 0 : i32
    %dma_start3A_525 = tpu.memref_slice %arg8[%dma_start3A_523, %dma_start3A_524] : memref<512x128xf32, #tpu.memory_space<vmem>> -> memref<8x128xf32, #tpu.memory_space<vmem>>
    %dma_start3A_526 = tpu.memref_slice %arg2[%multiple_of3A_518, %multiple_of3A_515] : memref<2048x32000xf32, #tpu.memory_space<hbm>> -> memref<8x128xf32, #tpu.memory_space<hbm>>
    tpu.enqueue_dma source(%dma_start3A_526 : memref<8x128xf32, #tpu.memory_space<hbm>>) target(%dma_start3A_525 : memref<8x128xf32, #tpu.memory_space<vmem>>) target_semaphore(%arg10 : memref<!tpu.dma_semaphore, #tpu.memory_space<semaphore_mem>>)
    %slice3A_527 = vector.extract_strided_slice %get3A_328 {offsets = [11], sizes = [1], strides = [1]} : vector<16xi32> to vector<1xi32>
    %squeeze3A_528 = vector.extract %slice3A_527[0] : i32 from vector<1xi32>
    %shift_right_arithmetic3A_529 = arith.constant 7 : i32
    %shift_right_arithmetic3A_530 = arith.shrsi %squeeze3A_528, %shift_right_arithmetic3A_529 : i32
    %shift_left3A_531 = arith.constant 7 : i32
    %shift_left3A_532 = arith.shli %shift_right_arithmetic3A_530, %shift_left3A_531 : i32
    %multiple_of3A_533 = tpu.assume_multiple %shift_left3A_532, 128 : i32
    %add3A_534 = arith.constant 24 : i32
    %add3A_535 = arith.addi %mul3A_2, %add3A_534 : i32
    %multiple_of3A_536 = tpu.assume_multiple %add3A_535, 8 : i32
    %dma_start3A_537 = arith.constant 216 : i32
    %dma_start3A_538 = arith.constant 0 : i32
    %dma_start3A_539 = tpu.memref_slice %arg8[%dma_start3A_537, %dma_start3A_538] : memref<512x128xf32, #tpu.memory_space<vmem>> -> memref<8x128xf32, #tpu.memory_space<vmem>>
    %dma_start3A_540 = tpu.memref_slice %arg2[%multiple_of3A_536, %multiple_of3A_533] : memref<2048x32000xf32, #tpu.memory_space<hbm>> -> memref<8x128xf32, #tpu.memory_space<hbm>>
    %dma_start3A_541 = arith.constant 216 : i32
    %dma_start3A_542 = arith.constant 0 : i32
    %dma_start3A_543 = tpu.memref_slice %arg8[%dma_start3A_541, %dma_start3A_542] : memref<512x128xf32, #tpu.memory_space<vmem>> -> memref<8x128xf32, #tpu.memory_space<vmem>>
    %dma_start3A_544 = tpu.memref_slice %arg2[%multiple_of3A_536, %multiple_of3A_533] : memref<2048x32000xf32, #tpu.memory_space<hbm>> -> memref<8x128xf32, #tpu.memory_space<hbm>>
    tpu.enqueue_dma source(%dma_start3A_544 : memref<8x128xf32, #tpu.memory_space<hbm>>) target(%dma_start3A_543 : memref<8x128xf32, #tpu.memory_space<vmem>>) target_semaphore(%arg10 : memref<!tpu.dma_semaphore, #tpu.memory_space<semaphore_mem>>)
    %slice3A_545 = vector.extract_strided_slice %get3A_328 {offsets = [12], sizes = [1], strides = [1]} : vector<16xi32> to vector<1xi32>
    %squeeze3A_546 = vector.extract %slice3A_545[0] : i32 from vector<1xi32>
    %shift_right_arithmetic3A_547 = arith.constant 7 : i32
    %shift_right_arithmetic3A_548 = arith.shrsi %squeeze3A_546, %shift_right_arithmetic3A_547 : i32
    %shift_left3A_549 = arith.constant 7 : i32
    %shift_left3A_550 = arith.shli %shift_right_arithmetic3A_548, %shift_left3A_549 : i32
    %multiple_of3A_551 = tpu.assume_multiple %shift_left3A_550, 128 : i32
    %add3A_552 = arith.constant 24 : i32
    %add3A_553 = arith.addi %mul3A_2, %add3A_552 : i32
    %multiple_of3A_554 = tpu.assume_multiple %add3A_553, 8 : i32
    %dma_start3A_555 = arith.constant 224 : i32
    %dma_start3A_556 = arith.constant 0 : i32
    %dma_start3A_557 = tpu.memref_slice %arg8[%dma_start3A_555, %dma_start3A_556] : memref<512x128xf32, #tpu.memory_space<vmem>> -> memref<8x128xf32, #tpu.memory_space<vmem>>
    %dma_start3A_558 = tpu.memref_slice %arg2[%multiple_of3A_554, %multiple_of3A_551] : memref<2048x32000xf32, #tpu.memory_space<hbm>> -> memref<8x128xf32, #tpu.memory_space<hbm>>
    %dma_start3A_559 = arith.constant 224 : i32
    %dma_start3A_560 = arith.constant 0 : i32
    %dma_start3A_561 = tpu.memref_slice %arg8[%dma_start3A_559, %dma_start3A_560] : memref<512x128xf32, #tpu.memory_space<vmem>> -> memref<8x128xf32, #tpu.memory_space<vmem>>
    %dma_start3A_562 = tpu.memref_slice %arg2[%multiple_of3A_554, %multiple_of3A_551] : memref<2048x32000xf32, #tpu.memory_space<hbm>> -> memref<8x128xf32, #tpu.memory_space<hbm>>
    tpu.enqueue_dma source(%dma_start3A_562 : memref<8x128xf32, #tpu.memory_space<hbm>>) target(%dma_start3A_561 : memref<8x128xf32, #tpu.memory_space<vmem>>) target_semaphore(%arg10 : memref<!tpu.dma_semaphore, #tpu.memory_space<semaphore_mem>>)
    %slice3A_563 = vector.extract_strided_slice %get3A_328 {offsets = [13], sizes = [1], strides = [1]} : vector<16xi32> to vector<1xi32>
    %squeeze3A_564 = vector.extract %slice3A_563[0] : i32 from vector<1xi32>
    %shift_right_arithmetic3A_565 = arith.constant 7 : i32
    %shift_right_arithmetic3A_566 = arith.shrsi %squeeze3A_564, %shift_right_arithmetic3A_565 : i32
    %shift_left3A_567 = arith.constant 7 : i32
    %shift_left3A_568 = arith.shli %shift_right_arithmetic3A_566, %shift_left3A_567 : i32
    %multiple_of3A_569 = tpu.assume_multiple %shift_left3A_568, 128 : i32
    %add3A_570 = arith.constant 24 : i32
    %add3A_571 = arith.addi %mul3A_2, %add3A_570 : i32
    %multiple_of3A_572 = tpu.assume_multiple %add3A_571, 8 : i32
    %dma_start3A_573 = arith.constant 232 : i32
    %dma_start3A_574 = arith.constant 0 : i32
    %dma_start3A_575 = tpu.memref_slice %arg8[%dma_start3A_573, %dma_start3A_574] : memref<512x128xf32, #tpu.memory_space<vmem>> -> memref<8x128xf32, #tpu.memory_space<vmem>>
    %dma_start3A_576 = tpu.memref_slice %arg2[%multiple_of3A_572, %multiple_of3A_569] : memref<2048x32000xf32, #tpu.memory_space<hbm>> -> memref<8x128xf32, #tpu.memory_space<hbm>>
    %dma_start3A_577 = arith.constant 232 : i32
    %dma_start3A_578 = arith.constant 0 : i32
    %dma_start3A_579 = tpu.memref_slice %arg8[%dma_start3A_577, %dma_start3A_578] : memref<512x128xf32, #tpu.memory_space<vmem>> -> memref<8x128xf32, #tpu.memory_space<vmem>>
    %dma_start3A_580 = tpu.memref_slice %arg2[%multiple_of3A_572, %multiple_of3A_569] : memref<2048x32000xf32, #tpu.memory_space<hbm>> -> memref<8x128xf32, #tpu.memory_space<hbm>>
    tpu.enqueue_dma source(%dma_start3A_580 : memref<8x128xf32, #tpu.memory_space<hbm>>) target(%dma_start3A_579 : memref<8x128xf32, #tpu.memory_space<vmem>>) target_semaphore(%arg10 : memref<!tpu.dma_semaphore, #tpu.memory_space<semaphore_mem>>)
    %slice3A_581 = vector.extract_strided_slice %get3A_328 {offsets = [14], sizes = [1], strides = [1]} : vector<16xi32> to vector<1xi32>
    %squeeze3A_582 = vector.extract %slice3A_581[0] : i32 from vector<1xi32>
    %shift_right_arithmetic3A_583 = arith.constant 7 : i32
    %shift_right_arithmetic3A_584 = arith.shrsi %squeeze3A_582, %shift_right_arithmetic3A_583 : i32
    %shift_left3A_585 = arith.constant 7 : i32
    %shift_left3A_586 = arith.shli %shift_right_arithmetic3A_584, %shift_left3A_585 : i32
    %multiple_of3A_587 = tpu.assume_multiple %shift_left3A_586, 128 : i32
    %add3A_588 = arith.constant 24 : i32
    %add3A_589 = arith.addi %mul3A_2, %add3A_588 : i32
    %multiple_of3A_590 = tpu.assume_multiple %add3A_589, 8 : i32
    %dma_start3A_591 = arith.constant 240 : i32
    %dma_start3A_592 = arith.constant 0 : i32
    %dma_start3A_593 = tpu.memref_slice %arg8[%dma_start3A_591, %dma_start3A_592] : memref<512x128xf32, #tpu.memory_space<vmem>> -> memref<8x128xf32, #tpu.memory_space<vmem>>
    %dma_start3A_594 = tpu.memref_slice %arg2[%multiple_of3A_590, %multiple_of3A_587] : memref<2048x32000xf32, #tpu.memory_space<hbm>> -> memref<8x128xf32, #tpu.memory_space<hbm>>
    %dma_start3A_595 = arith.constant 240 : i32
    %dma_start3A_596 = arith.constant 0 : i32
    %dma_start3A_597 = tpu.memref_slice %arg8[%dma_start3A_595, %dma_start3A_596] : memref<512x128xf32, #tpu.memory_space<vmem>> -> memref<8x128xf32, #tpu.memory_space<vmem>>
    %dma_start3A_598 = tpu.memref_slice %arg2[%multiple_of3A_590, %multiple_of3A_587] : memref<2048x32000xf32, #tpu.memory_space<hbm>> -> memref<8x128xf32, #tpu.memory_space<hbm>>
    tpu.enqueue_dma source(%dma_start3A_598 : memref<8x128xf32, #tpu.memory_space<hbm>>) target(%dma_start3A_597 : memref<8x128xf32, #tpu.memory_space<vmem>>) target_semaphore(%arg10 : memref<!tpu.dma_semaphore, #tpu.memory_space<semaphore_mem>>)
    %slice3A_599 = vector.extract_strided_slice %get3A_328 {offsets = [15], sizes = [1], strides = [1]} : vector<16xi32> to vector<1xi32>
    %squeeze3A_600 = vector.extract %slice3A_599[0] : i32 from vector<1xi32>
    %shift_right_arithmetic3A_601 = arith.constant 7 : i32
    %shift_right_arithmetic3A_602 = arith.shrsi %squeeze3A_600, %shift_right_arithmetic3A_601 : i32
    %shift_left3A_603 = arith.constant 7 : i32
    %shift_left3A_604 = arith.shli %shift_right_arithmetic3A_602, %shift_left3A_603 : i32
    %multiple_of3A_605 = tpu.assume_multiple %shift_left3A_604, 128 : i32
    %add3A_606 = arith.constant 24 : i32
    %add3A_607 = arith.addi %mul3A_2, %add3A_606 : i32
    %multiple_of3A_608 = tpu.assume_multiple %add3A_607, 8 : i32
    %dma_start3A_609 = arith.constant 248 : i32
    %dma_start3A_610 = arith.constant 0 : i32
    %dma_start3A_611 = tpu.memref_slice %arg8[%dma_start3A_609, %dma_start3A_610] : memref<512x128xf32, #tpu.memory_space<vmem>> -> memref<8x128xf32, #tpu.memory_space<vmem>>
    %dma_start3A_612 = tpu.memref_slice %arg2[%multiple_of3A_608, %multiple_of3A_605] : memref<2048x32000xf32, #tpu.memory_space<hbm>> -> memref<8x128xf32, #tpu.memory_space<hbm>>
    %dma_start3A_613 = arith.constant 248 : i32
    %dma_start3A_614 = arith.constant 0 : i32
    %dma_start3A_615 = tpu.memref_slice %arg8[%dma_start3A_613, %dma_start3A_614] : memref<512x128xf32, #tpu.memory_space<vmem>> -> memref<8x128xf32, #tpu.memory_space<vmem>>
    %dma_start3A_616 = tpu.memref_slice %arg2[%multiple_of3A_608, %multiple_of3A_605] : memref<2048x32000xf32, #tpu.memory_space<hbm>> -> memref<8x128xf32, #tpu.memory_space<hbm>>
    tpu.enqueue_dma source(%dma_start3A_616 : memref<8x128xf32, #tpu.memory_space<hbm>>) target(%dma_start3A_615 : memref<8x128xf32, #tpu.memory_space<vmem>>) target_semaphore(%arg10 : memref<!tpu.dma_semaphore, #tpu.memory_space<semaphore_mem>>)
    %add3A_617 = arith.constant 1 : i32
    %add3A_618 = arith.addi %sub3A_25, %add3A_617 : i32
    %get3A_619 = arith.index_cast %add3A_618 : i32 to index
    %get3A_620 = arith.constant 0 : index
    %get3A_621 = tpu.vector_load %arg6[%get3A_619, %get3A_620] {strides = array<i32>} : memref<8x32xi32, #tpu.memory_space<vmem>>, vector<16xi32>,
    %slice3A_622 = vector.extract_strided_slice %get3A_621 {offsets = [0], sizes = [1], strides = [1]} : vector<16xi32> to vector<1xi32>
    %squeeze3A_623 = vector.extract %slice3A_622[0] : i32 from vector<1xi32>
    %shift_right_arithmetic3A_624 = arith.constant 7 : i32
    %shift_right_arithmetic3A_625 = arith.shrsi %squeeze3A_623, %shift_right_arithmetic3A_624 : i32
    %shift_left3A_626 = arith.constant 7 : i32
    %shift_left3A_627 = arith.shli %shift_right_arithmetic3A_625, %shift_left3A_626 : i32
    %multiple_of3A_628 = tpu.assume_multiple %shift_left3A_627, 128 : i32
    %add3A_629 = arith.constant 32 : i32
    %add3A_630 = arith.addi %mul3A_2, %add3A_629 : i32
    %multiple_of3A_631 = tpu.assume_multiple %add3A_630, 8 : i32
    %dma_start3A_632 = arith.constant 256 : i32
    %dma_start3A_633 = arith.constant 0 : i32
    %dma_start3A_634 = tpu.memref_slice %arg8[%dma_start3A_632, %dma_start3A_633] : memref<512x128xf32, #tpu.memory_space<vmem>> -> memref<8x128xf32, #tpu.memory_space<vmem>>
    %dma_start3A_635 = tpu.memref_slice %arg2[%multiple_of3A_631, %multiple_of3A_628] : memref<2048x32000xf32, #tpu.memory_space<hbm>> -> memref<8x128xf32, #tpu.memory_space<hbm>>
    %dma_start3A_636 = arith.constant 256 : i32
    %dma_start3A_637 = arith.constant 0 : i32
    %dma_start3A_638 = tpu.memref_slice %arg8[%dma_start3A_636, %dma_start3A_637] : memref<512x128xf32, #tpu.memory_space<vmem>> -> memref<8x128xf32, #tpu.memory_space<vmem>>
    %dma_start3A_639 = tpu.memref_slice %arg2[%multiple_of3A_631, %multiple_of3A_628] : memref<2048x32000xf32, #tpu.memory_space<hbm>> -> memref<8x128xf32, #tpu.memory_space<hbm>>
    tpu.enqueue_dma source(%dma_start3A_639 : memref<8x128xf32, #tpu.memory_space<hbm>>) target(%dma_start3A_638 : memref<8x128xf32, #tpu.memory_space<vmem>>) target_semaphore(%arg10 : memref<!tpu.dma_semaphore, #tpu.memory_space<semaphore_mem>>)
    %slice3A_640 = vector.extract_strided_slice %get3A_621 {offsets = [1], sizes = [1], strides = [1]} : vector<16xi32> to vector<1xi32>
    %squeeze3A_641 = vector.extract %slice3A_640[0] : i32 from vector<1xi32>
    %shift_right_arithmetic3A_642 = arith.constant 7 : i32
    %shift_right_arithmetic3A_643 = arith.shrsi %squeeze3A_641, %shift_right_arithmetic3A_642 : i32
    %shift_left3A_644 = arith.constant 7 : i32
    %shift_left3A_645 = arith.shli %shift_right_arithmetic3A_643, %shift_left3A_644 : i32
    %multiple_of3A_646 = tpu.assume_multiple %shift_left3A_645, 128 : i32
    %add3A_647 = arith.constant 32 : i32
    %add3A_648 = arith.addi %mul3A_2, %add3A_647 : i32
    %multiple_of3A_649 = tpu.assume_multiple %add3A_648, 8 : i32
    %dma_start3A_650 = arith.constant 264 : i32
    %dma_start3A_651 = arith.constant 0 : i32
    %dma_start3A_652 = tpu.memref_slice %arg8[%dma_start3A_650, %dma_start3A_651] : memref<512x128xf32, #tpu.memory_space<vmem>> -> memref<8x128xf32, #tpu.memory_space<vmem>>
    %dma_start3A_653 = tpu.memref_slice %arg2[%multiple_of3A_649, %multiple_of3A_646] : memref<2048x32000xf32, #tpu.memory_space<hbm>> -> memref<8x128xf32, #tpu.memory_space<hbm>>
    %dma_start3A_654 = arith.constant 264 : i32
    %dma_start3A_655 = arith.constant 0 : i32
    %dma_start3A_656 = tpu.memref_slice %arg8[%dma_start3A_654, %dma_start3A_655] : memref<512x128xf32, #tpu.memory_space<vmem>> -> memref<8x128xf32, #tpu.memory_space<vmem>>
    %dma_start3A_657 = tpu.memref_slice %arg2[%multiple_of3A_649, %multiple_of3A_646] : memref<2048x32000xf32, #tpu.memory_space<hbm>> -> memref<8x128xf32, #tpu.memory_space<hbm>>
    tpu.enqueue_dma source(%dma_start3A_657 : memref<8x128xf32, #tpu.memory_space<hbm>>) target(%dma_start3A_656 : memref<8x128xf32, #tpu.memory_space<vmem>>) target_semaphore(%arg10 : memref<!tpu.dma_semaphore, #tpu.memory_space<semaphore_mem>>)
    %slice3A_658 = vector.extract_strided_slice %get3A_621 {offsets = [2], sizes = [1], strides = [1]} : vector<16xi32> to vector<1xi32>
    %squeeze3A_659 = vector.extract %slice3A_658[0] : i32 from vector<1xi32>
    %shift_right_arithmetic3A_660 = arith.constant 7 : i32
    %shift_right_arithmetic3A_661 = arith.shrsi %squeeze3A_659, %shift_right_arithmetic3A_660 : i32
    %shift_left3A_662 = arith.constant 7 : i32
    %shift_left3A_663 = arith.shli %shift_right_arithmetic3A_661, %shift_left3A_662 : i32
    %multiple_of3A_664 = tpu.assume_multiple %shift_left3A_663, 128 : i32
    %add3A_665 = arith.constant 32 : i32
    %add3A_666 = arith.addi %mul3A_2, %add3A_665 : i32
    %multiple_of3A_667 = tpu.assume_multiple %add3A_666, 8 : i32
    %dma_start3A_668 = arith.constant 272 : i32
    %dma_start3A_669 = arith.constant 0 : i32
    %dma_start3A_670 = tpu.memref_slice %arg8[%dma_start3A_668, %dma_start3A_669] : memref<512x128xf32, #tpu.memory_space<vmem>> -> memref<8x128xf32, #tpu.memory_space<vmem>>
    %dma_start3A_671 = tpu.memref_slice %arg2[%multiple_of3A_667, %multiple_of3A_664] : memref<2048x32000xf32, #tpu.memory_space<hbm>> -> memref<8x128xf32, #tpu.memory_space<hbm>>
    %dma_start3A_672 = arith.constant 272 : i32
    %dma_start3A_673 = arith.constant 0 : i32
    %dma_start3A_674 = tpu.memref_slice %arg8[%dma_start3A_672, %dma_start3A_673] : memref<512x128xf32, #tpu.memory_space<vmem>> -> memref<8x128xf32, #tpu.memory_space<vmem>>
    %dma_start3A_675 = tpu.memref_slice %arg2[%multiple_of3A_667, %multiple_of3A_664] : memref<2048x32000xf32, #tpu.memory_space<hbm>> -> memref<8x128xf32, #tpu.memory_space<hbm>>
    tpu.enqueue_dma source(%dma_start3A_675 : memref<8x128xf32, #tpu.memory_space<hbm>>) target(%dma_start3A_674 : memref<8x128xf32, #tpu.memory_space<vmem>>) target_semaphore(%arg10 : memref<!tpu.dma_semaphore, #tpu.memory_space<semaphore_mem>>)
    %slice3A_676 = vector.extract_strided_slice %get3A_621 {offsets = [3], sizes = [1], strides = [1]} : vector<16xi32> to vector<1xi32>
    %squeeze3A_677 = vector.extract %slice3A_676[0] : i32 from vector<1xi32>
    %shift_right_arithmetic3A_678 = arith.constant 7 : i32
    %shift_right_arithmetic3A_679 = arith.shrsi %squeeze3A_677, %shift_right_arithmetic3A_678 : i32
    %shift_left3A_680 = arith.constant 7 : i32
    %shift_left3A_681 = arith.shli %shift_right_arithmetic3A_679, %shift_left3A_680 : i32
    %multiple_of3A_682 = tpu.assume_multiple %shift_left3A_681, 128 : i32
    %add3A_683 = arith.constant 32 : i32
    %add3A_684 = arith.addi %mul3A_2, %add3A_683 : i32
    %multiple_of3A_685 = tpu.assume_multiple %add3A_684, 8 : i32
    %dma_start3A_686 = arith.constant 280 : i32
    %dma_start3A_687 = arith.constant 0 : i32
    %dma_start3A_688 = tpu.memref_slice %arg8[%dma_start3A_686, %dma_start3A_687] : memref<512x128xf32, #tpu.memory_space<vmem>> -> memref<8x128xf32, #tpu.memory_space<vmem>>
    %dma_start3A_689 = tpu.memref_slice %arg2[%multiple_of3A_685, %multiple_of3A_682] : memref<2048x32000xf32, #tpu.memory_space<hbm>> -> memref<8x128xf32, #tpu.memory_space<hbm>>
    %dma_start3A_690 = arith.constant 280 : i32
    %dma_start3A_691 = arith.constant 0 : i32
    %dma_start3A_692 = tpu.memref_slice %arg8[%dma_start3A_690, %dma_start3A_691] : memref<512x128xf32, #tpu.memory_space<vmem>> -> memref<8x128xf32, #tpu.memory_space<vmem>>
    %dma_start3A_693 = tpu.memref_slice %arg2[%multiple_of3A_685, %multiple_of3A_682] : memref<2048x32000xf32, #tpu.memory_space<hbm>> -> memref<8x128xf32, #tpu.memory_space<hbm>>
    tpu.enqueue_dma source(%dma_start3A_693 : memref<8x128xf32, #tpu.memory_space<hbm>>) target(%dma_start3A_692 : memref<8x128xf32, #tpu.memory_space<vmem>>) target_semaphore(%arg10 : memref<!tpu.dma_semaphore, #tpu.memory_space<semaphore_mem>>)
    %slice3A_694 = vector.extract_strided_slice %get3A_621 {offsets = [4], sizes = [1], strides = [1]} : vector<16xi32> to vector<1xi32>
    %squeeze3A_695 = vector.extract %slice3A_694[0] : i32 from vector<1xi32>
    %shift_right_arithmetic3A_696 = arith.constant 7 : i32
    %shift_right_arithmetic3A_697 = arith.shrsi %squeeze3A_695, %shift_right_arithmetic3A_696 : i32
    %shift_left3A_698 = arith.constant 7 : i32
    %shift_left3A_699 = arith.shli %shift_right_arithmetic3A_697, %shift_left3A_698 : i32
    %multiple_of3A_700 = tpu.assume_multiple %shift_left3A_699, 128 : i32
    %add3A_701 = arith.constant 32 : i32
    %add3A_702 = arith.addi %mul3A_2, %add3A_701 : i32
    %multiple_of3A_703 = tpu.assume_multiple %add3A_702, 8 : i32
    %dma_start3A_704 = arith.constant 288 : i32
    %dma_start3A_705 = arith.constant 0 : i32
    %dma_start3A_706 = tpu.memref_slice %arg8[%dma_start3A_704, %dma_start3A_705] : memref<512x128xf32, #tpu.memory_space<vmem>> -> memref<8x128xf32, #tpu.memory_space<vmem>>
    %dma_start3A_707 = tpu.memref_slice %arg2[%multiple_of3A_703, %multiple_of3A_700] : memref<2048x32000xf32, #tpu.memory_space<hbm>> -> memref<8x128xf32, #tpu.memory_space<hbm>>
    %dma_start3A_708 = arith.constant 288 : i32
    %dma_start3A_709 = arith.constant 0 : i32
    %dma_start3A_710 = tpu.memref_slice %arg8[%dma_start3A_708, %dma_start3A_709] : memref<512x128xf32, #tpu.memory_space<vmem>> -> memref<8x128xf32, #tpu.memory_space<vmem>>
    %dma_start3A_711 = tpu.memref_slice %arg2[%multiple_of3A_703, %multiple_of3A_700] : memref<2048x32000xf32, #tpu.memory_space<hbm>> -> memref<8x128xf32, #tpu.memory_space<hbm>>
    tpu.enqueue_dma source(%dma_start3A_711 : memref<8x128xf32, #tpu.memory_space<hbm>>) target(%dma_start3A_710 : memref<8x128xf32, #tpu.memory_space<vmem>>) target_semaphore(%arg10 : memref<!tpu.dma_semaphore, #tpu.memory_space<semaphore_mem>>)
    %slice3A_712 = vector.extract_strided_slice %get3A_621 {offsets = [5], sizes = [1], strides = [1]} : vector<16xi32> to vector<1xi32>
    %squeeze3A_713 = vector.extract %slice3A_712[0] : i32 from vector<1xi32>
    %shift_right_arithmetic3A_714 = arith.constant 7 : i32
    %shift_right_arithmetic3A_715 = arith.shrsi %squeeze3A_713, %shift_right_arithmetic3A_714 : i32
    %shift_left3A_716 = arith.constant 7 : i32
    %shift_left3A_717 = arith.shli %shift_right_arithmetic3A_715, %shift_left3A_716 : i32
    %multiple_of3A_718 = tpu.assume_multiple %shift_left3A_717, 128 : i32
    %add3A_719 = arith.constant 32 : i32
    %add3A_720 = arith.addi %mul3A_2, %add3A_719 : i32
    %multiple_of3A_721 = tpu.assume_multiple %add3A_720, 8 : i32
    %dma_start3A_722 = arith.constant 296 : i32
    %dma_start3A_723 = arith.constant 0 : i32
    %dma_start3A_724 = tpu.memref_slice %arg8[%dma_start3A_722, %dma_start3A_723] : memref<512x128xf32, #tpu.memory_space<vmem>> -> memref<8x128xf32, #tpu.memory_space<vmem>>
    %dma_start3A_725 = tpu.memref_slice %arg2[%multiple_of3A_721, %multiple_of3A_718] : memref<2048x32000xf32, #tpu.memory_space<hbm>> -> memref<8x128xf32, #tpu.memory_space<hbm>>
    %dma_start3A_726 = arith.constant 296 : i32
    %dma_start3A_727 = arith.constant 0 : i32
    %dma_start3A_728 = tpu.memref_slice %arg8[%dma_start3A_726, %dma_start3A_727] : memref<512x128xf32, #tpu.memory_space<vmem>> -> memref<8x128xf32, #tpu.memory_space<vmem>>
    %dma_start3A_729 = tpu.memref_slice %arg2[%multiple_of3A_721, %multiple_of3A_718] : memref<2048x32000xf32, #tpu.memory_space<hbm>> -> memref<8x128xf32, #tpu.memory_space<hbm>>
    tpu.enqueue_dma source(%dma_start3A_729 : memref<8x128xf32, #tpu.memory_space<hbm>>) target(%dma_start3A_728 : memref<8x128xf32, #tpu.memory_space<vmem>>) target_semaphore(%arg10 : memref<!tpu.dma_semaphore, #tpu.memory_space<semaphore_mem>>)
    %slice3A_730 = vector.extract_strided_slice %get3A_621 {offsets = [6], sizes = [1], strides = [1]} : vector<16xi32> to vector<1xi32>
    %squeeze3A_731 = vector.extract %slice3A_730[0] : i32 from vector<1xi32>
    %shift_right_arithmetic3A_732 = arith.constant 7 : i32
    %shift_right_arithmetic3A_733 = arith.shrsi %squeeze3A_731, %shift_right_arithmetic3A_732 : i32
    %shift_left3A_734 = arith.constant 7 : i32
    %shift_left3A_735 = arith.shli %shift_right_arithmetic3A_733, %shift_left3A_734 : i32
    %multiple_of3A_736 = tpu.assume_multiple %shift_left3A_735, 128 : i32
    %add3A_737 = arith.constant 32 : i32
    %add3A_738 = arith.addi %mul3A_2, %add3A_737 : i32
    %multiple_of3A_739 = tpu.assume_multiple %add3A_738, 8 : i32
    %dma_start3A_740 = arith.constant 304 : i32
    %dma_start3A_741 = arith.constant 0 : i32
    %dma_start3A_742 = tpu.memref_slice %arg8[%dma_start3A_740, %dma_start3A_741] : memref<512x128xf32, #tpu.memory_space<vmem>> -> memref<8x128xf32, #tpu.memory_space<vmem>>
    %dma_start3A_743 = tpu.memref_slice %arg2[%multiple_of3A_739, %multiple_of3A_736] : memref<2048x32000xf32, #tpu.memory_space<hbm>> -> memref<8x128xf32, #tpu.memory_space<hbm>>
    %dma_start3A_744 = arith.constant 304 : i32
    %dma_start3A_745 = arith.constant 0 : i32
    %dma_start3A_746 = tpu.memref_slice %arg8[%dma_start3A_744, %dma_start3A_745] : memref<512x128xf32, #tpu.memory_space<vmem>> -> memref<8x128xf32, #tpu.memory_space<vmem>>
    %dma_start3A_747 = tpu.memref_slice %arg2[%multiple_of3A_739, %multiple_of3A_736] : memref<2048x32000xf32, #tpu.memory_space<hbm>> -> memref<8x128xf32, #tpu.memory_space<hbm>>
    tpu.enqueue_dma source(%dma_start3A_747 : memref<8x128xf32, #tpu.memory_space<hbm>>) target(%dma_start3A_746 : memref<8x128xf32, #tpu.memory_space<vmem>>) target_semaphore(%arg10 : memref<!tpu.dma_semaphore, #tpu.memory_space<semaphore_mem>>)
    %slice3A_748 = vector.extract_strided_slice %get3A_621 {offsets = [7], sizes = [1], strides = [1]} : vector<16xi32> to vector<1xi32>
    %squeeze3A_749 = vector.extract %slice3A_748[0] : i32 from vector<1xi32>
    %shift_right_arithmetic3A_750 = arith.constant 7 : i32
    %shift_right_arithmetic3A_751 = arith.shrsi %squeeze3A_749, %shift_right_arithmetic3A_750 : i32
    %shift_left3A_752 = arith.constant 7 : i32
    %shift_left3A_753 = arith.shli %shift_right_arithmetic3A_751, %shift_left3A_752 : i32
    %multiple_of3A_754 = tpu.assume_multiple %shift_left3A_753, 128 : i32
    %add3A_755 = arith.constant 32 : i32
    %add3A_756 = arith.addi %mul3A_2, %add3A_755 : i32
    %multiple_of3A_757 = tpu.assume_multiple %add3A_756, 8 : i32
    %dma_start3A_758 = arith.constant 312 : i32
    %dma_start3A_759 = arith.constant 0 : i32
    %dma_start3A_760 = tpu.memref_slice %arg8[%dma_start3A_758, %dma_start3A_759] : memref<512x128xf32, #tpu.memory_space<vmem>> -> memref<8x128xf32, #tpu.memory_space<vmem>>
    %dma_start3A_761 = tpu.memref_slice %arg2[%multiple_of3A_757, %multiple_of3A_754] : memref<2048x32000xf32, #tpu.memory_space<hbm>> -> memref<8x128xf32, #tpu.memory_space<hbm>>
    %dma_start3A_762 = arith.constant 312 : i32
    %dma_start3A_763 = arith.constant 0 : i32
    %dma_start3A_764 = tpu.memref_slice %arg8[%dma_start3A_762, %dma_start3A_763] : memref<512x128xf32, #tpu.memory_space<vmem>> -> memref<8x128xf32, #tpu.memory_space<vmem>>
    %dma_start3A_765 = tpu.memref_slice %arg2[%multiple_of3A_757, %multiple_of3A_754] : memref<2048x32000xf32, #tpu.memory_space<hbm>> -> memref<8x128xf32, #tpu.memory_space<hbm>>
    tpu.enqueue_dma source(%dma_start3A_765 : memref<8x128xf32, #tpu.memory_space<hbm>>) target(%dma_start3A_764 : memref<8x128xf32, #tpu.memory_space<vmem>>) target_semaphore(%arg10 : memref<!tpu.dma_semaphore, #tpu.memory_space<semaphore_mem>>)
    %slice3A_766 = vector.extract_strided_slice %get3A_621 {offsets = [8], sizes = [1], strides = [1]} : vector<16xi32> to vector<1xi32>
    %squeeze3A_767 = vector.extract %slice3A_766[0] : i32 from vector<1xi32>
    %shift_right_arithmetic3A_768 = arith.constant 7 : i32
    %shift_right_arithmetic3A_769 = arith.shrsi %squeeze3A_767, %shift_right_arithmetic3A_768 : i32
    %shift_left3A_770 = arith.constant 7 : i32
    %shift_left3A_771 = arith.shli %shift_right_arithmetic3A_769, %shift_left3A_770 : i32
    %multiple_of3A_772 = tpu.assume_multiple %shift_left3A_771, 128 : i32
    %add3A_773 = arith.constant 40 : i32
    %add3A_774 = arith.addi %mul3A_2, %add3A_773 : i32
    %multiple_of3A_775 = tpu.assume_multiple %add3A_774, 8 : i32
    %dma_start3A_776 = arith.constant 320 : i32
    %dma_start3A_777 = arith.constant 0 : i32
    %dma_start3A_778 = tpu.memref_slice %arg8[%dma_start3A_776, %dma_start3A_777] : memref<512x128xf32, #tpu.memory_space<vmem>> -> memref<8x128xf32, #tpu.memory_space<vmem>>
    %dma_start3A_779 = tpu.memref_slice %arg2[%multiple_of3A_775, %multiple_of3A_772] : memref<2048x32000xf32, #tpu.memory_space<hbm>> -> memref<8x128xf32, #tpu.memory_space<hbm>>
    %dma_start3A_780 = arith.constant 320 : i32
    %dma_start3A_781 = arith.constant 0 : i32
    %dma_start3A_782 = tpu.memref_slice %arg8[%dma_start3A_780, %dma_start3A_781] : memref<512x128xf32, #tpu.memory_space<vmem>> -> memref<8x128xf32, #tpu.memory_space<vmem>>
    %dma_start3A_783 = tpu.memref_slice %arg2[%multiple_of3A_775, %multiple_of3A_772] : memref<2048x32000xf32, #tpu.memory_space<hbm>> -> memref<8x128xf32, #tpu.memory_space<hbm>>
    tpu.enqueue_dma source(%dma_start3A_783 : memref<8x128xf32, #tpu.memory_space<hbm>>) target(%dma_start3A_782 : memref<8x128xf32, #tpu.memory_space<vmem>>) target_semaphore(%arg10 : memref<!tpu.dma_semaphore, #tpu.memory_space<semaphore_mem>>)
    %slice3A_784 = vector.extract_strided_slice %get3A_621 {offsets = [9], sizes = [1], strides = [1]} : vector<16xi32> to vector<1xi32>
    %squeeze3A_785 = vector.extract %slice3A_784[0] : i32 from vector<1xi32>
    %shift_right_arithmetic3A_786 = arith.constant 7 : i32
    %shift_right_arithmetic3A_787 = arith.shrsi %squeeze3A_785, %shift_right_arithmetic3A_786 : i32
    %shift_left3A_788 = arith.constant 7 : i32
    %shift_left3A_789 = arith.shli %shift_right_arithmetic3A_787, %shift_left3A_788 : i32
    %multiple_of3A_790 = tpu.assume_multiple %shift_left3A_789, 128 : i32
    %add3A_791 = arith.constant 40 : i32
    %add3A_792 = arith.addi %mul3A_2, %add3A_791 : i32
    %multiple_of3A_793 = tpu.assume_multiple %add3A_792, 8 : i32
    %dma_start3A_794 = arith.constant 328 : i32
    %dma_start3A_795 = arith.constant 0 : i32
    %dma_start3A_796 = tpu.memref_slice %arg8[%dma_start3A_794, %dma_start3A_795] : memref<512x128xf32, #tpu.memory_space<vmem>> -> memref<8x128xf32, #tpu.memory_space<vmem>>
    %dma_start3A_797 = tpu.memref_slice %arg2[%multiple_of3A_793, %multiple_of3A_790] : memref<2048x32000xf32, #tpu.memory_space<hbm>> -> memref<8x128xf32, #tpu.memory_space<hbm>>
    %dma_start3A_798 = arith.constant 328 : i32
    %dma_start3A_799 = arith.constant 0 : i32
    %dma_start3A_800 = tpu.memref_slice %arg8[%dma_start3A_798, %dma_start3A_799] : memref<512x128xf32, #tpu.memory_space<vmem>> -> memref<8x128xf32, #tpu.memory_space<vmem>>
    %dma_start3A_801 = tpu.memref_slice %arg2[%multiple_of3A_793, %multiple_of3A_790] : memref<2048x32000xf32, #tpu.memory_space<hbm>> -> memref<8x128xf32, #tpu.memory_space<hbm>>
    tpu.enqueue_dma source(%dma_start3A_801 : memref<8x128xf32, #tpu.memory_space<hbm>>) target(%dma_start3A_800 : memref<8x128xf32, #tpu.memory_space<vmem>>) target_semaphore(%arg10 : memref<!tpu.dma_semaphore, #tpu.memory_space<semaphore_mem>>)
    %slice3A_802 = vector.extract_strided_slice %get3A_621 {offsets = [10], sizes = [1], strides = [1]} : vector<16xi32> to vector<1xi32>
    %squeeze3A_803 = vector.extract %slice3A_802[0] : i32 from vector<1xi32>
    %shift_right_arithmetic3A_804 = arith.constant 7 : i32
    %shift_right_arithmetic3A_805 = arith.shrsi %squeeze3A_803, %shift_right_arithmetic3A_804 : i32
    %shift_left3A_806 = arith.constant 7 : i32
    %shift_left3A_807 = arith.shli %shift_right_arithmetic3A_805, %shift_left3A_806 : i32
    %multiple_of3A_808 = tpu.assume_multiple %shift_left3A_807, 128 : i32
    %add3A_809 = arith.constant 40 : i32
    %add3A_810 = arith.addi %mul3A_2, %add3A_809 : i32
    %multiple_of3A_811 = tpu.assume_multiple %add3A_810, 8 : i32
    %dma_start3A_812 = arith.constant 336 : i32
    %dma_start3A_813 = arith.constant 0 : i32
    %dma_start3A_814 = tpu.memref_slice %arg8[%dma_start3A_812, %dma_start3A_813] : memref<512x128xf32, #tpu.memory_space<vmem>> -> memref<8x128xf32, #tpu.memory_space<vmem>>
    %dma_start3A_815 = tpu.memref_slice %arg2[%multiple_of3A_811, %multiple_of3A_808] : memref<2048x32000xf32, #tpu.memory_space<hbm>> -> memref<8x128xf32, #tpu.memory_space<hbm>>
    %dma_start3A_816 = arith.constant 336 : i32
    %dma_start3A_817 = arith.constant 0 : i32
    %dma_start3A_818 = tpu.memref_slice %arg8[%dma_start3A_816, %dma_start3A_817] : memref<512x128xf32, #tpu.memory_space<vmem>> -> memref<8x128xf32, #tpu.memory_space<vmem>>
    %dma_start3A_819 = tpu.memref_slice %arg2[%multiple_of3A_811, %multiple_of3A_808] : memref<2048x32000xf32, #tpu.memory_space<hbm>> -> memref<8x128xf32, #tpu.memory_space<hbm>>
    tpu.enqueue_dma source(%dma_start3A_819 : memref<8x128xf32, #tpu.memory_space<hbm>>) target(%dma_start3A_818 : memref<8x128xf32, #tpu.memory_space<vmem>>) target_semaphore(%arg10 : memref<!tpu.dma_semaphore, #tpu.memory_space<semaphore_mem>>)
    %slice3A_820 = vector.extract_strided_slice %get3A_621 {offsets = [11], sizes = [1], strides = [1]} : vector<16xi32> to vector<1xi32>
    %squeeze3A_821 = vector.extract %slice3A_820[0] : i32 from vector<1xi32>
    %shift_right_arithmetic3A_822 = arith.constant 7 : i32
    %shift_right_arithmetic3A_823 = arith.shrsi %squeeze3A_821, %shift_right_arithmetic3A_822 : i32
    %shift_left3A_824 = arith.constant 7 : i32
    %shift_left3A_825 = arith.shli %shift_right_arithmetic3A_823, %shift_left3A_824 : i32
    %multiple_of3A_826 = tpu.assume_multiple %shift_left3A_825, 128 : i32
    %add3A_827 = arith.constant 40 : i32
    %add3A_828 = arith.addi %mul3A_2, %add3A_827 : i32
    %multiple_of3A_829 = tpu.assume_multiple %add3A_828, 8 : i32
    %dma_start3A_830 = arith.constant 344 : i32
    %dma_start3A_831 = arith.constant 0 : i32
    %dma_start3A_832 = tpu.memref_slice %arg8[%dma_start3A_830, %dma_start3A_831] : memref<512x128xf32, #tpu.memory_space<vmem>> -> memref<8x128xf32, #tpu.memory_space<vmem>>
    %dma_start3A_833 = tpu.memref_slice %arg2[%multiple_of3A_829, %multiple_of3A_826] : memref<2048x32000xf32, #tpu.memory_space<hbm>> -> memref<8x128xf32, #tpu.memory_space<hbm>>
    %dma_start3A_834 = arith.constant 344 : i32
    %dma_start3A_835 = arith.constant 0 : i32
    %dma_start3A_836 = tpu.memref_slice %arg8[%dma_start3A_834, %dma_start3A_835] : memref<512x128xf32, #tpu.memory_space<vmem>> -> memref<8x128xf32, #tpu.memory_space<vmem>>
    %dma_start3A_837 = tpu.memref_slice %arg2[%multiple_of3A_829, %multiple_of3A_826] : memref<2048x32000xf32, #tpu.memory_space<hbm>> -> memref<8x128xf32, #tpu.memory_space<hbm>>
    tpu.enqueue_dma source(%dma_start3A_837 : memref<8x128xf32, #tpu.memory_space<hbm>>) target(%dma_start3A_836 : memref<8x128xf32, #tpu.memory_space<vmem>>) target_semaphore(%arg10 : memref<!tpu.dma_semaphore, #tpu.memory_space<semaphore_mem>>)
    %slice3A_838 = vector.extract_strided_slice %get3A_621 {offsets = [12], sizes = [1], strides = [1]} : vector<16xi32> to vector<1xi32>
    %squeeze3A_839 = vector.extract %slice3A_838[0] : i32 from vector<1xi32>
    %shift_right_arithmetic3A_840 = arith.constant 7 : i32
    %shift_right_arithmetic3A_841 = arith.shrsi %squeeze3A_839, %shift_right_arithmetic3A_840 : i32
    %shift_left3A_842 = arith.constant 7 : i32
    %shift_left3A_843 = arith.shli %shift_right_arithmetic3A_841, %shift_left3A_842 : i32
    %multiple_of3A_844 = tpu.assume_multiple %shift_left3A_843, 128 : i32
    %add3A_845 = arith.constant 40 : i32
    %add3A_846 = arith.addi %mul3A_2, %add3A_845 : i32
    %multiple_of3A_847 = tpu.assume_multiple %add3A_846, 8 : i32
    %dma_start3A_848 = arith.constant 352 : i32
    %dma_start3A_849 = arith.constant 0 : i32
    %dma_start3A_850 = tpu.memref_slice %arg8[%dma_start3A_848, %dma_start3A_849] : memref<512x128xf32, #tpu.memory_space<vmem>> -> memref<8x128xf32, #tpu.memory_space<vmem>>
    %dma_start3A_851 = tpu.memref_slice %arg2[%multiple_of3A_847, %multiple_of3A_844] : memref<2048x32000xf32, #tpu.memory_space<hbm>> -> memref<8x128xf32, #tpu.memory_space<hbm>>
    %dma_start3A_852 = arith.constant 352 : i32
    %dma_start3A_853 = arith.constant 0 : i32
    %dma_start3A_854 = tpu.memref_slice %arg8[%dma_start3A_852, %dma_start3A_853] : memref<512x128xf32, #tpu.memory_space<vmem>> -> memref<8x128xf32, #tpu.memory_space<vmem>>
    %dma_start3A_855 = tpu.memref_slice %arg2[%multiple_of3A_847, %multiple_of3A_844] : memref<2048x32000xf32, #tpu.memory_space<hbm>> -> memref<8x128xf32, #tpu.memory_space<hbm>>
    tpu.enqueue_dma source(%dma_start3A_855 : memref<8x128xf32, #tpu.memory_space<hbm>>) target(%dma_start3A_854 : memref<8x128xf32, #tpu.memory_space<vmem>>) target_semaphore(%arg10 : memref<!tpu.dma_semaphore, #tpu.memory_space<semaphore_mem>>)
    %slice3A_856 = vector.extract_strided_slice %get3A_621 {offsets = [13], sizes = [1], strides = [1]} : vector<16xi32> to vector<1xi32>
    %squeeze3A_857 = vector.extract %slice3A_856[0] : i32 from vector<1xi32>
    %shift_right_arithmetic3A_858 = arith.constant 7 : i32
    %shift_right_arithmetic3A_859 = arith.shrsi %squeeze3A_857, %shift_right_arithmetic3A_858 : i32
    %shift_left3A_860 = arith.constant 7 : i32
    %shift_left3A_861 = arith.shli %shift_right_arithmetic3A_859, %shift_left3A_860 : i32
    %multiple_of3A_862 = tpu.assume_multiple %shift_left3A_861, 128 : i32
    %add3A_863 = arith.constant 40 : i32
    %add3A_864 = arith.addi %mul3A_2, %add3A_863 : i32
    %multiple_of3A_865 = tpu.assume_multiple %add3A_864, 8 : i32
    %dma_start3A_866 = arith.constant 360 : i32
    %dma_start3A_867 = arith.constant 0 : i32
    %dma_start3A_868 = tpu.memref_slice %arg8[%dma_start3A_866, %dma_start3A_867] : memref<512x128xf32, #tpu.memory_space<vmem>> -> memref<8x128xf32, #tpu.memory_space<vmem>>
    %dma_start3A_869 = tpu.memref_slice %arg2[%multiple_of3A_865, %multiple_of3A_862] : memref<2048x32000xf32, #tpu.memory_space<hbm>> -> memref<8x128xf32, #tpu.memory_space<hbm>>
    %dma_start3A_870 = arith.constant 360 : i32
    %dma_start3A_871 = arith.constant 0 : i32
    %dma_start3A_872 = tpu.memref_slice %arg8[%dma_start3A_870, %dma_start3A_871] : memref<512x128xf32, #tpu.memory_space<vmem>> -> memref<8x128xf32, #tpu.memory_space<vmem>>
    %dma_start3A_873 = tpu.memref_slice %arg2[%multiple_of3A_865, %multiple_of3A_862] : memref<2048x32000xf32, #tpu.memory_space<hbm>> -> memref<8x128xf32, #tpu.memory_space<hbm>>
    tpu.enqueue_dma source(%dma_start3A_873 : memref<8x128xf32, #tpu.memory_space<hbm>>) target(%dma_start3A_872 : memref<8x128xf32, #tpu.memory_space<vmem>>) target_semaphore(%arg10 : memref<!tpu.dma_semaphore, #tpu.memory_space<semaphore_mem>>)
    %slice3A_874 = vector.extract_strided_slice %get3A_621 {offsets = [14], sizes = [1], strides = [1]} : vector<16xi32> to vector<1xi32>
    %squeeze3A_875 = vector.extract %slice3A_874[0] : i32 from vector<1xi32>
    %shift_right_arithmetic3A_876 = arith.constant 7 : i32
    %shift_right_arithmetic3A_877 = arith.shrsi %squeeze3A_875, %shift_right_arithmetic3A_876 : i32
    %shift_left3A_878 = arith.constant 7 : i32
    %shift_left3A_879 = arith.shli %shift_right_arithmetic3A_877, %shift_left3A_878 : i32
    %multiple_of3A_880 = tpu.assume_multiple %shift_left3A_879, 128 : i32
    %add3A_881 = arith.constant 40 : i32
    %add3A_882 = arith.addi %mul3A_2, %add3A_881 : i32
    %multiple_of3A_883 = tpu.assume_multiple %add3A_882, 8 : i32
    %dma_start3A_884 = arith.constant 368 : i32
    %dma_start3A_885 = arith.constant 0 : i32
    %dma_start3A_886 = tpu.memref_slice %arg8[%dma_start3A_884, %dma_start3A_885] : memref<512x128xf32, #tpu.memory_space<vmem>> -> memref<8x128xf32, #tpu.memory_space<vmem>>
    %dma_start3A_887 = tpu.memref_slice %arg2[%multiple_of3A_883, %multiple_of3A_880] : memref<2048x32000xf32, #tpu.memory_space<hbm>> -> memref<8x128xf32, #tpu.memory_space<hbm>>
    %dma_start3A_888 = arith.constant 368 : i32
    %dma_start3A_889 = arith.constant 0 : i32
    %dma_start3A_890 = tpu.memref_slice %arg8[%dma_start3A_888, %dma_start3A_889] : memref<512x128xf32, #tpu.memory_space<vmem>> -> memref<8x128xf32, #tpu.memory_space<vmem>>
    %dma_start3A_891 = tpu.memref_slice %arg2[%multiple_of3A_883, %multiple_of3A_880] : memref<2048x32000xf32, #tpu.memory_space<hbm>> -> memref<8x128xf32, #tpu.memory_space<hbm>>
    tpu.enqueue_dma source(%dma_start3A_891 : memref<8x128xf32, #tpu.memory_space<hbm>>) target(%dma_start3A_890 : memref<8x128xf32, #tpu.memory_space<vmem>>) target_semaphore(%arg10 : memref<!tpu.dma_semaphore, #tpu.memory_space<semaphore_mem>>)
    %slice3A_892 = vector.extract_strided_slice %get3A_621 {offsets = [15], sizes = [1], strides = [1]} : vector<16xi32> to vector<1xi32>
    %squeeze3A_893 = vector.extract %slice3A_892[0] : i32 from vector<1xi32>
    %shift_right_arithmetic3A_894 = arith.constant 7 : i32
    %shift_right_arithmetic3A_895 = arith.shrsi %squeeze3A_893, %shift_right_arithmetic3A_894 : i32
    %shift_left3A_896 = arith.constant 7 : i32
    %shift_left3A_897 = arith.shli %shift_right_arithmetic3A_895, %shift_left3A_896 : i32
    %multiple_of3A_898 = tpu.assume_multiple %shift_left3A_897, 128 : i32
    %add3A_899 = arith.constant 40 : i32
    %add3A_900 = arith.addi %mul3A_2, %add3A_899 : i32
    %multiple_of3A_901 = tpu.assume_multiple %add3A_900, 8 : i32
    %dma_start3A_902 = arith.constant 376 : i32
    %dma_start3A_903 = arith.constant 0 : i32
    %dma_start3A_904 = tpu.memref_slice %arg8[%dma_start3A_902, %dma_start3A_903] : memref<512x128xf32, #tpu.memory_space<vmem>> -> memref<8x128xf32, #tpu.memory_space<vmem>>
    %dma_start3A_905 = tpu.memref_slice %arg2[%multiple_of3A_901, %multiple_of3A_898] : memref<2048x32000xf32, #tpu.memory_space<hbm>> -> memref<8x128xf32, #tpu.memory_space<hbm>>
    %dma_start3A_906 = arith.constant 376 : i32
    %dma_start3A_907 = arith.constant 0 : i32
    %dma_start3A_908 = tpu.memref_slice %arg8[%dma_start3A_906, %dma_start3A_907] : memref<512x128xf32, #tpu.memory_space<vmem>> -> memref<8x128xf32, #tpu.memory_space<vmem>>
    %dma_start3A_909 = tpu.memref_slice %arg2[%multiple_of3A_901, %multiple_of3A_898] : memref<2048x32000xf32, #tpu.memory_space<hbm>> -> memref<8x128xf32, #tpu.memory_space<hbm>>
    tpu.enqueue_dma source(%dma_start3A_909 : memref<8x128xf32, #tpu.memory_space<hbm>>) target(%dma_start3A_908 : memref<8x128xf32, #tpu.memory_space<vmem>>) target_semaphore(%arg10 : memref<!tpu.dma_semaphore, #tpu.memory_space<semaphore_mem>>)
    %add3A_910 = arith.constant 1 : i32
    %add3A_911 = arith.addi %sub3A_25, %add3A_910 : i32
    %get3A_912 = arith.index_cast %add3A_911 : i32 to index
    %get3A_913 = arith.constant 16 : index
    %get3A_914 = tpu.vector_load %arg6[%get3A_912, %get3A_913] {strides = array<i32>} : memref<8x32xi32, #tpu.memory_space<vmem>>, vector<16xi32>,
    %slice3A_915 = vector.extract_strided_slice %get3A_914 {offsets = [0], sizes = [1], strides = [1]} : vector<16xi32> to vector<1xi32>
    %squeeze3A_916 = vector.extract %slice3A_915[0] : i32 from vector<1xi32>
    %shift_right_arithmetic3A_917 = arith.constant 7 : i32
    %shift_right_arithmetic3A_918 = arith.shrsi %squeeze3A_916, %shift_right_arithmetic3A_917 : i32
    %shift_left3A_919 = arith.constant 7 : i32
    %shift_left3A_920 = arith.shli %shift_right_arithmetic3A_918, %shift_left3A_919 : i32
    %multiple_of3A_921 = tpu.assume_multiple %shift_left3A_920, 128 : i32
    %add3A_922 = arith.constant 48 : i32
    %add3A_923 = arith.addi %mul3A_2, %add3A_922 : i32
    %multiple_of3A_924 = tpu.assume_multiple %add3A_923, 8 : i32
    %dma_start3A_925 = arith.constant 384 : i32
    %dma_start3A_926 = arith.constant 0 : i32
    %dma_start3A_927 = tpu.memref_slice %arg8[%dma_start3A_925, %dma_start3A_926] : memref<512x128xf32, #tpu.memory_space<vmem>> -> memref<8x128xf32, #tpu.memory_space<vmem>>
    %dma_start3A_928 = tpu.memref_slice %arg2[%multiple_of3A_924, %multiple_of3A_921] : memref<2048x32000xf32, #tpu.memory_space<hbm>> -> memref<8x128xf32, #tpu.memory_space<hbm>>
    %dma_start3A_929 = arith.constant 384 : i32
    %dma_start3A_930 = arith.constant 0 : i32
    %dma_start3A_931 = tpu.memref_slice %arg8[%dma_start3A_929, %dma_start3A_930] : memref<512x128xf32, #tpu.memory_space<vmem>> -> memref<8x128xf32, #tpu.memory_space<vmem>>
    %dma_start3A_932 = tpu.memref_slice %arg2[%multiple_of3A_924, %multiple_of3A_921] : memref<2048x32000xf32, #tpu.memory_space<hbm>> -> memref<8x128xf32, #tpu.memory_space<hbm>>
    tpu.enqueue_dma source(%dma_start3A_932 : memref<8x128xf32, #tpu.memory_space<hbm>>) target(%dma_start3A_931 : memref<8x128xf32, #tpu.memory_space<vmem>>) target_semaphore(%arg10 : memref<!tpu.dma_semaphore, #tpu.memory_space<semaphore_mem>>)
    %slice3A_933 = vector.extract_strided_slice %get3A_914 {offsets = [1], sizes = [1], strides = [1]} : vector<16xi32> to vector<1xi32>
    %squeeze3A_934 = vector.extract %slice3A_933[0] : i32 from vector<1xi32>
    %shift_right_arithmetic3A_935 = arith.constant 7 : i32
    %shift_right_arithmetic3A_936 = arith.shrsi %squeeze3A_934, %shift_right_arithmetic3A_935 : i32
    %shift_left3A_937 = arith.constant 7 : i32
    %shift_left3A_938 = arith.shli %shift_right_arithmetic3A_936, %shift_left3A_937 : i32
    %multiple_of3A_939 = tpu.assume_multiple %shift_left3A_938, 128 : i32
    %add3A_940 = arith.constant 48 : i32
    %add3A_941 = arith.addi %mul3A_2, %add3A_940 : i32
    %multiple_of3A_942 = tpu.assume_multiple %add3A_941, 8 : i32
    %dma_start3A_943 = arith.constant 392 : i32
    %dma_start3A_944 = arith.constant 0 : i32
    %dma_start3A_945 = tpu.memref_slice %arg8[%dma_start3A_943, %dma_start3A_944] : memref<512x128xf32, #tpu.memory_space<vmem>> -> memref<8x128xf32, #tpu.memory_space<vmem>>
    %dma_start3A_946 = tpu.memref_slice %arg2[%multiple_of3A_942, %multiple_of3A_939] : memref<2048x32000xf32, #tpu.memory_space<hbm>> -> memref<8x128xf32, #tpu.memory_space<hbm>>
    %dma_start3A_947 = arith.constant 392 : i32
    %dma_start3A_948 = arith.constant 0 : i32
    %dma_start3A_949 = tpu.memref_slice %arg8[%dma_start3A_947, %dma_start3A_948] : memref<512x128xf32, #tpu.memory_space<vmem>> -> memref<8x128xf32, #tpu.memory_space<vmem>>
    %dma_start3A_950 = tpu.memref_slice %arg2[%multiple_of3A_942, %multiple_of3A_939] : memref<2048x32000xf32, #tpu.memory_space<hbm>> -> memref<8x128xf32, #tpu.memory_space<hbm>>
    tpu.enqueue_dma source(%dma_start3A_950 : memref<8x128xf32, #tpu.memory_space<hbm>>) target(%dma_start3A_949 : memref<8x128xf32, #tpu.memory_space<vmem>>) target_semaphore(%arg10 : memref<!tpu.dma_semaphore, #tpu.memory_space<semaphore_mem>>)
    %slice3A_951 = vector.extract_strided_slice %get3A_914 {offsets = [2], sizes = [1], strides = [1]} : vector<16xi32> to vector<1xi32>
    %squeeze3A_952 = vector.extract %slice3A_951[0] : i32 from vector<1xi32>
    %shift_right_arithmetic3A_953 = arith.constant 7 : i32
    %shift_right_arithmetic3A_954 = arith.shrsi %squeeze3A_952, %shift_right_arithmetic3A_953 : i32
    %shift_left3A_955 = arith.constant 7 : i32
    %shift_left3A_956 = arith.shli %shift_right_arithmetic3A_954, %shift_left3A_955 : i32
    %multiple_of3A_957 = tpu.assume_multiple %shift_left3A_956, 128 : i32
    %add3A_958 = arith.constant 48 : i32
    %add3A_959 = arith.addi %mul3A_2, %add3A_958 : i32
    %multiple_of3A_960 = tpu.assume_multiple %add3A_959, 8 : i32
    %dma_start3A_961 = arith.constant 400 : i32
    %dma_start3A_962 = arith.constant 0 : i32
    %dma_start3A_963 = tpu.memref_slice %arg8[%dma_start3A_961, %dma_start3A_962] : memref<512x128xf32, #tpu.memory_space<vmem>> -> memref<8x128xf32, #tpu.memory_space<vmem>>
    %dma_start3A_964 = tpu.memref_slice %arg2[%multiple_of3A_960, %multiple_of3A_957] : memref<2048x32000xf32, #tpu.memory_space<hbm>> -> memref<8x128xf32, #tpu.memory_space<hbm>>
    %dma_start3A_965 = arith.constant 400 : i32
    %dma_start3A_966 = arith.constant 0 : i32
    %dma_start3A_967 = tpu.memref_slice %arg8[%dma_start3A_965, %dma_start3A_966] : memref<512x128xf32, #tpu.memory_space<vmem>> -> memref<8x128xf32, #tpu.memory_space<vmem>>
    %dma_start3A_968 = tpu.memref_slice %arg2[%multiple_of3A_960, %multiple_of3A_957] : memref<2048x32000xf32, #tpu.memory_space<hbm>> -> memref<8x128xf32, #tpu.memory_space<hbm>>
    tpu.enqueue_dma source(%dma_start3A_968 : memref<8x128xf32, #tpu.memory_space<hbm>>) target(%dma_start3A_967 : memref<8x128xf32, #tpu.memory_space<vmem>>) target_semaphore(%arg10 : memref<!tpu.dma_semaphore, #tpu.memory_space<semaphore_mem>>)
    %slice3A_969 = vector.extract_strided_slice %get3A_914 {offsets = [3], sizes = [1], strides = [1]} : vector<16xi32> to vector<1xi32>
    %squeeze3A_970 = vector.extract %slice3A_969[0] : i32 from vector<1xi32>
    %shift_right_arithmetic3A_971 = arith.constant 7 : i32
    %shift_right_arithmetic3A_972 = arith.shrsi %squeeze3A_970, %shift_right_arithmetic3A_971 : i32
    %shift_left3A_973 = arith.constant 7 : i32
    %shift_left3A_974 = arith.shli %shift_right_arithmetic3A_972, %shift_left3A_973 : i32
    %multiple_of3A_975 = tpu.assume_multiple %shift_left3A_974, 128 : i32
    %add3A_976 = arith.constant 48 : i32
    %add3A_977 = arith.addi %mul3A_2, %add3A_976 : i32
    %multiple_of3A_978 = tpu.assume_multiple %add3A_977, 8 : i32
    %dma_start3A_979 = arith.constant 408 : i32
    %dma_start3A_980 = arith.constant 0 : i32
    %dma_start3A_981 = tpu.memref_slice %arg8[%dma_start3A_979, %dma_start3A_980] : memref<512x128xf32, #tpu.memory_space<vmem>> -> memref<8x128xf32, #tpu.memory_space<vmem>>
    %dma_start3A_982 = tpu.memref_slice %arg2[%multiple_of3A_978, %multiple_of3A_975] : memref<2048x32000xf32, #tpu.memory_space<hbm>> -> memref<8x128xf32, #tpu.memory_space<hbm>>
    %dma_start3A_983 = arith.constant 408 : i32
    %dma_start3A_984 = arith.constant 0 : i32
    %dma_start3A_985 = tpu.memref_slice %arg8[%dma_start3A_983, %dma_start3A_984] : memref<512x128xf32, #tpu.memory_space<vmem>> -> memref<8x128xf32, #tpu.memory_space<vmem>>
    %dma_start3A_986 = tpu.memref_slice %arg2[%multiple_of3A_978, %multiple_of3A_975] : memref<2048x32000xf32, #tpu.memory_space<hbm>> -> memref<8x128xf32, #tpu.memory_space<hbm>>
    tpu.enqueue_dma source(%dma_start3A_986 : memref<8x128xf32, #tpu.memory_space<hbm>>) target(%dma_start3A_985 : memref<8x128xf32, #tpu.memory_space<vmem>>) target_semaphore(%arg10 : memref<!tpu.dma_semaphore, #tpu.memory_space<semaphore_mem>>)
    %slice3A_987 = vector.extract_strided_slice %get3A_914 {offsets = [4], sizes = [1], strides = [1]} : vector<16xi32> to vector<1xi32>
    %squeeze3A_988 = vector.extract %slice3A_987[0] : i32 from vector<1xi32>
    %shift_right_arithmetic3A_989 = arith.constant 7 : i32
    %shift_right_arithmetic3A_990 = arith.shrsi %squeeze3A_988, %shift_right_arithmetic3A_989 : i32
    %shift_left3A_991 = arith.constant 7 : i32
    %shift_left3A_992 = arith.shli %shift_right_arithmetic3A_990, %shift_left3A_991 : i32
    %multiple_of3A_993 = tpu.assume_multiple %shift_left3A_992, 128 : i32
    %add3A_994 = arith.constant 48 : i32
    %add3A_995 = arith.addi %mul3A_2, %add3A_994 : i32
    %multiple_of3A_996 = tpu.assume_multiple %add3A_995, 8 : i32
    %dma_start3A_997 = arith.constant 416 : i32
    %dma_start3A_998 = arith.constant 0 : i32
    %dma_start3A_999 = tpu.memref_slice %arg8[%dma_start3A_997, %dma_start3A_998] : memref<512x128xf32, #tpu.memory_space<vmem>> -> memref<8x128xf32, #tpu.memory_space<vmem>>
    %dma_start3A_1000 = tpu.memref_slice %arg2[%multiple_of3A_996, %multiple_of3A_993] : memref<2048x32000xf32, #tpu.memory_space<hbm>> -> memref<8x128xf32, #tpu.memory_space<hbm>>
    %dma_start3A_1001 = arith.constant 416 : i32
    %dma_start3A_1002 = arith.constant 0 : i32
    %dma_start3A_1003 = tpu.memref_slice %arg8[%dma_start3A_1001, %dma_start3A_1002] : memref<512x128xf32, #tpu.memory_space<vmem>> -> memref<8x128xf32, #tpu.memory_space<vmem>>
    %dma_start3A_1004 = tpu.memref_slice %arg2[%multiple_of3A_996, %multiple_of3A_993] : memref<2048x32000xf32, #tpu.memory_space<hbm>> -> memref<8x128xf32, #tpu.memory_space<hbm>>
    tpu.enqueue_dma source(%dma_start3A_1004 : memref<8x128xf32, #tpu.memory_space<hbm>>) target(%dma_start3A_1003 : memref<8x128xf32, #tpu.memory_space<vmem>>) target_semaphore(%arg10 : memref<!tpu.dma_semaphore, #tpu.memory_space<semaphore_mem>>)
    %slice3A_1005 = vector.extract_strided_slice %get3A_914 {offsets = [5], sizes = [1], strides = [1]} : vector<16xi32> to vector<1xi32>
    %squeeze3A_1006 = vector.extract %slice3A_1005[0] : i32 from vector<1xi32>
    %shift_right_arithmetic3A_1007 = arith.constant 7 : i32
    %shift_right_arithmetic3A_1008 = arith.shrsi %squeeze3A_1006, %shift_right_arithmetic3A_1007 : i32
    %shift_left3A_1009 = arith.constant 7 : i32
    %shift_left3A_1010 = arith.shli %shift_right_arithmetic3A_1008, %shift_left3A_1009 : i32
    %multiple_of3A_1011 = tpu.assume_multiple %shift_left3A_1010, 128 : i32
    %add3A_1012 = arith.constant 48 : i32
    %add3A_1013 = arith.addi %mul3A_2, %add3A_1012 : i32
    %multiple_of3A_1014 = tpu.assume_multiple %add3A_1013, 8 : i32
    %dma_start3A_1015 = arith.constant 424 : i32
    %dma_start3A_1016 = arith.constant 0 : i32
    %dma_start3A_1017 = tpu.memref_slice %arg8[%dma_start3A_1015, %dma_start3A_1016] : memref<512x128xf32, #tpu.memory_space<vmem>> -> memref<8x128xf32, #tpu.memory_space<vmem>>
    %dma_start3A_1018 = tpu.memref_slice %arg2[%multiple_of3A_1014, %multiple_of3A_1011] : memref<2048x32000xf32, #tpu.memory_space<hbm>> -> memref<8x128xf32, #tpu.memory_space<hbm>>
    %dma_start3A_1019 = arith.constant 424 : i32
    %dma_start3A_1020 = arith.constant 0 : i32
    %dma_start3A_1021 = tpu.memref_slice %arg8[%dma_start3A_1019, %dma_start3A_1020] : memref<512x128xf32, #tpu.memory_space<vmem>> -> memref<8x128xf32, #tpu.memory_space<vmem>>
    %dma_start3A_1022 = tpu.memref_slice %arg2[%multiple_of3A_1014, %multiple_of3A_1011] : memref<2048x32000xf32, #tpu.memory_space<hbm>> -> memref<8x128xf32, #tpu.memory_space<hbm>>
    tpu.enqueue_dma source(%dma_start3A_1022 : memref<8x128xf32, #tpu.memory_space<hbm>>) target(%dma_start3A_1021 : memref<8x128xf32, #tpu.memory_space<vmem>>) target_semaphore(%arg10 : memref<!tpu.dma_semaphore, #tpu.memory_space<semaphore_mem>>)
    %slice3A_1023 = vector.extract_strided_slice %get3A_914 {offsets = [6], sizes = [1], strides = [1]} : vector<16xi32> to vector<1xi32>
    %squeeze3A_1024 = vector.extract %slice3A_1023[0] : i32 from vector<1xi32>
    %shift_right_arithmetic3A_1025 = arith.constant 7 : i32
    %shift_right_arithmetic3A_1026 = arith.shrsi %squeeze3A_1024, %shift_right_arithmetic3A_1025 : i32
    %shift_left3A_1027 = arith.constant 7 : i32
    %shift_left3A_1028 = arith.shli %shift_right_arithmetic3A_1026, %shift_left3A_1027 : i32
    %multiple_of3A_1029 = tpu.assume_multiple %shift_left3A_1028, 128 : i32
    %add3A_1030 = arith.constant 48 : i32
    %add3A_1031 = arith.addi %mul3A_2, %add3A_1030 : i32
    %multiple_of3A_1032 = tpu.assume_multiple %add3A_1031, 8 : i32
    %dma_start3A_1033 = arith.constant 432 : i32
    %dma_start3A_1034 = arith.constant 0 : i32
    %dma_start3A_1035 = tpu.memref_slice %arg8[%dma_start3A_1033, %dma_start3A_1034] : memref<512x128xf32, #tpu.memory_space<vmem>> -> memref<8x128xf32, #tpu.memory_space<vmem>>
    %dma_start3A_1036 = tpu.memref_slice %arg2[%multiple_of3A_1032, %multiple_of3A_1029] : memref<2048x32000xf32, #tpu.memory_space<hbm>> -> memref<8x128xf32, #tpu.memory_space<hbm>>
    %dma_start3A_1037 = arith.constant 432 : i32
    %dma_start3A_1038 = arith.constant 0 : i32
    %dma_start3A_1039 = tpu.memref_slice %arg8[%dma_start3A_1037, %dma_start3A_1038] : memref<512x128xf32, #tpu.memory_space<vmem>> -> memref<8x128xf32, #tpu.memory_space<vmem>>
    %dma_start3A_1040 = tpu.memref_slice %arg2[%multiple_of3A_1032, %multiple_of3A_1029] : memref<2048x32000xf32, #tpu.memory_space<hbm>> -> memref<8x128xf32, #tpu.memory_space<hbm>>
    tpu.enqueue_dma source(%dma_start3A_1040 : memref<8x128xf32, #tpu.memory_space<hbm>>) target(%dma_start3A_1039 : memref<8x128xf32, #tpu.memory_space<vmem>>) target_semaphore(%arg10 : memref<!tpu.dma_semaphore, #tpu.memory_space<semaphore_mem>>)
    %slice3A_1041 = vector.extract_strided_slice %get3A_914 {offsets = [7], sizes = [1], strides = [1]} : vector<16xi32> to vector<1xi32>
    %squeeze3A_1042 = vector.extract %slice3A_1041[0] : i32 from vector<1xi32>
    %shift_right_arithmetic3A_1043 = arith.constant 7 : i32
    %shift_right_arithmetic3A_1044 = arith.shrsi %squeeze3A_1042, %shift_right_arithmetic3A_1043 : i32
    %shift_left3A_1045 = arith.constant 7 : i32
    %shift_left3A_1046 = arith.shli %shift_right_arithmetic3A_1044, %shift_left3A_1045 : i32
    %multiple_of3A_1047 = tpu.assume_multiple %shift_left3A_1046, 128 : i32
    %add3A_1048 = arith.constant 48 : i32
    %add3A_1049 = arith.addi %mul3A_2, %add3A_1048 : i32
    %multiple_of3A_1050 = tpu.assume_multiple %add3A_1049, 8 : i32
    %dma_start3A_1051 = arith.constant 440 : i32
    %dma_start3A_1052 = arith.constant 0 : i32
    %dma_start3A_1053 = tpu.memref_slice %arg8[%dma_start3A_1051, %dma_start3A_1052] : memref<512x128xf32, #tpu.memory_space<vmem>> -> memref<8x128xf32, #tpu.memory_space<vmem>>
    %dma_start3A_1054 = tpu.memref_slice %arg2[%multiple_of3A_1050, %multiple_of3A_1047] : memref<2048x32000xf32, #tpu.memory_space<hbm>> -> memref<8x128xf32, #tpu.memory_space<hbm>>
    %dma_start3A_1055 = arith.constant 440 : i32
    %dma_start3A_1056 = arith.constant 0 : i32
    %dma_start3A_1057 = tpu.memref_slice %arg8[%dma_start3A_1055, %dma_start3A_1056] : memref<512x128xf32, #tpu.memory_space<vmem>> -> memref<8x128xf32, #tpu.memory_space<vmem>>
    %dma_start3A_1058 = tpu.memref_slice %arg2[%multiple_of3A_1050, %multiple_of3A_1047] : memref<2048x32000xf32, #tpu.memory_space<hbm>> -> memref<8x128xf32, #tpu.memory_space<hbm>>
    tpu.enqueue_dma source(%dma_start3A_1058 : memref<8x128xf32, #tpu.memory_space<hbm>>) target(%dma_start3A_1057 : memref<8x128xf32, #tpu.memory_space<vmem>>) target_semaphore(%arg10 : memref<!tpu.dma_semaphore, #tpu.memory_space<semaphore_mem>>)
    %slice3A_1059 = vector.extract_strided_slice %get3A_914 {offsets = [8], sizes = [1], strides = [1]} : vector<16xi32> to vector<1xi32>
    %squeeze3A_1060 = vector.extract %slice3A_1059[0] : i32 from vector<1xi32>
    %shift_right_arithmetic3A_1061 = arith.constant 7 : i32
    %shift_right_arithmetic3A_1062 = arith.shrsi %squeeze3A_1060, %shift_right_arithmetic3A_1061 : i32
    %shift_left3A_1063 = arith.constant 7 : i32
    %shift_left3A_1064 = arith.shli %shift_right_arithmetic3A_1062, %shift_left3A_1063 : i32
    %multiple_of3A_1065 = tpu.assume_multiple %shift_left3A_1064, 128 : i32
    %add3A_1066 = arith.constant 56 : i32
    %add3A_1067 = arith.addi %mul3A_2, %add3A_1066 : i32
    %multiple_of3A_1068 = tpu.assume_multiple %add3A_1067, 8 : i32
    %dma_start3A_1069 = arith.constant 448 : i32
    %dma_start3A_1070 = arith.constant 0 : i32
    %dma_start3A_1071 = tpu.memref_slice %arg8[%dma_start3A_1069, %dma_start3A_1070] : memref<512x128xf32, #tpu.memory_space<vmem>> -> memref<8x128xf32, #tpu.memory_space<vmem>>
    %dma_start3A_1072 = tpu.memref_slice %arg2[%multiple_of3A_1068, %multiple_of3A_1065] : memref<2048x32000xf32, #tpu.memory_space<hbm>> -> memref<8x128xf32, #tpu.memory_space<hbm>>
    %dma_start3A_1073 = arith.constant 448 : i32
    %dma_start3A_1074 = arith.constant 0 : i32
    %dma_start3A_1075 = tpu.memref_slice %arg8[%dma_start3A_1073, %dma_start3A_1074] : memref<512x128xf32, #tpu.memory_space<vmem>> -> memref<8x128xf32, #tpu.memory_space<vmem>>
    %dma_start3A_1076 = tpu.memref_slice %arg2[%multiple_of3A_1068, %multiple_of3A_1065] : memref<2048x32000xf32, #tpu.memory_space<hbm>> -> memref<8x128xf32, #tpu.memory_space<hbm>>
    tpu.enqueue_dma source(%dma_start3A_1076 : memref<8x128xf32, #tpu.memory_space<hbm>>) target(%dma_start3A_1075 : memref<8x128xf32, #tpu.memory_space<vmem>>) target_semaphore(%arg10 : memref<!tpu.dma_semaphore, #tpu.memory_space<semaphore_mem>>)
    %slice3A_1077 = vector.extract_strided_slice %get3A_914 {offsets = [9], sizes = [1], strides = [1]} : vector<16xi32> to vector<1xi32>
    %squeeze3A_1078 = vector.extract %slice3A_1077[0] : i32 from vector<1xi32>
    %shift_right_arithmetic3A_1079 = arith.constant 7 : i32
    %shift_right_arithmetic3A_1080 = arith.shrsi %squeeze3A_1078, %shift_right_arithmetic3A_1079 : i32
    %shift_left3A_1081 = arith.constant 7 : i32
    %shift_left3A_1082 = arith.shli %shift_right_arithmetic3A_1080, %shift_left3A_1081 : i32
    %multiple_of3A_1083 = tpu.assume_multiple %shift_left3A_1082, 128 : i32
    %add3A_1084 = arith.constant 56 : i32
    %add3A_1085 = arith.addi %mul3A_2, %add3A_1084 : i32
    %multiple_of3A_1086 = tpu.assume_multiple %add3A_1085, 8 : i32
    %dma_start3A_1087 = arith.constant 456 : i32
    %dma_start3A_1088 = arith.constant 0 : i32
    %dma_start3A_1089 = tpu.memref_slice %arg8[%dma_start3A_1087, %dma_start3A_1088] : memref<512x128xf32, #tpu.memory_space<vmem>> -> memref<8x128xf32, #tpu.memory_space<vmem>>
    %dma_start3A_1090 = tpu.memref_slice %arg2[%multiple_of3A_1086, %multiple_of3A_1083] : memref<2048x32000xf32, #tpu.memory_space<hbm>> -> memref<8x128xf32, #tpu.memory_space<hbm>>
    %dma_start3A_1091 = arith.constant 456 : i32
    %dma_start3A_1092 = arith.constant 0 : i32
    %dma_start3A_1093 = tpu.memref_slice %arg8[%dma_start3A_1091, %dma_start3A_1092] : memref<512x128xf32, #tpu.memory_space<vmem>> -> memref<8x128xf32, #tpu.memory_space<vmem>>
    %dma_start3A_1094 = tpu.memref_slice %arg2[%multiple_of3A_1086, %multiple_of3A_1083] : memref<2048x32000xf32, #tpu.memory_space<hbm>> -> memref<8x128xf32, #tpu.memory_space<hbm>>
    tpu.enqueue_dma source(%dma_start3A_1094 : memref<8x128xf32, #tpu.memory_space<hbm>>) target(%dma_start3A_1093 : memref<8x128xf32, #tpu.memory_space<vmem>>) target_semaphore(%arg10 : memref<!tpu.dma_semaphore, #tpu.memory_space<semaphore_mem>>)
    %slice3A_1095 = vector.extract_strided_slice %get3A_914 {offsets = [10], sizes = [1], strides = [1]} : vector<16xi32> to vector<1xi32>
    %squeeze3A_1096 = vector.extract %slice3A_1095[0] : i32 from vector<1xi32>
    %shift_right_arithmetic3A_1097 = arith.constant 7 : i32
    %shift_right_arithmetic3A_1098 = arith.shrsi %squeeze3A_1096, %shift_right_arithmetic3A_1097 : i32
    %shift_left3A_1099 = arith.constant 7 : i32
    %shift_left3A_1100 = arith.shli %shift_right_arithmetic3A_1098, %shift_left3A_1099 : i32
    %multiple_of3A_1101 = tpu.assume_multiple %shift_left3A_1100, 128 : i32
    %add3A_1102 = arith.constant 56 : i32
    %add3A_1103 = arith.addi %mul3A_2, %add3A_1102 : i32
    %multiple_of3A_1104 = tpu.assume_multiple %add3A_1103, 8 : i32
    %dma_start3A_1105 = arith.constant 464 : i32
    %dma_start3A_1106 = arith.constant 0 : i32
    %dma_start3A_1107 = tpu.memref_slice %arg8[%dma_start3A_1105, %dma_start3A_1106] : memref<512x128xf32, #tpu.memory_space<vmem>> -> memref<8x128xf32, #tpu.memory_space<vmem>>
    %dma_start3A_1108 = tpu.memref_slice %arg2[%multiple_of3A_1104, %multiple_of3A_1101] : memref<2048x32000xf32, #tpu.memory_space<hbm>> -> memref<8x128xf32, #tpu.memory_space<hbm>>
    %dma_start3A_1109 = arith.constant 464 : i32
    %dma_start3A_1110 = arith.constant 0 : i32
    %dma_start3A_1111 = tpu.memref_slice %arg8[%dma_start3A_1109, %dma_start3A_1110] : memref<512x128xf32, #tpu.memory_space<vmem>> -> memref<8x128xf32, #tpu.memory_space<vmem>>
    %dma_start3A_1112 = tpu.memref_slice %arg2[%multiple_of3A_1104, %multiple_of3A_1101] : memref<2048x32000xf32, #tpu.memory_space<hbm>> -> memref<8x128xf32, #tpu.memory_space<hbm>>
    tpu.enqueue_dma source(%dma_start3A_1112 : memref<8x128xf32, #tpu.memory_space<hbm>>) target(%dma_start3A_1111 : memref<8x128xf32, #tpu.memory_space<vmem>>) target_semaphore(%arg10 : memref<!tpu.dma_semaphore, #tpu.memory_space<semaphore_mem>>)
    %slice3A_1113 = vector.extract_strided_slice %get3A_914 {offsets = [11], sizes = [1], strides = [1]} : vector<16xi32> to vector<1xi32>
    %squeeze3A_1114 = vector.extract %slice3A_1113[0] : i32 from vector<1xi32>
    %shift_right_arithmetic3A_1115 = arith.constant 7 : i32
    %shift_right_arithmetic3A_1116 = arith.shrsi %squeeze3A_1114, %shift_right_arithmetic3A_1115 : i32
    %shift_left3A_1117 = arith.constant 7 : i32
    %shift_left3A_1118 = arith.shli %shift_right_arithmetic3A_1116, %shift_left3A_1117 : i32
    %multiple_of3A_1119 = tpu.assume_multiple %shift_left3A_1118, 128 : i32
    %add3A_1120 = arith.constant 56 : i32
    %add3A_1121 = arith.addi %mul3A_2, %add3A_1120 : i32
    %multiple_of3A_1122 = tpu.assume_multiple %add3A_1121, 8 : i32
    %dma_start3A_1123 = arith.constant 472 : i32
    %dma_start3A_1124 = arith.constant 0 : i32
    %dma_start3A_1125 = tpu.memref_slice %arg8[%dma_start3A_1123, %dma_start3A_1124] : memref<512x128xf32, #tpu.memory_space<vmem>> -> memref<8x128xf32, #tpu.memory_space<vmem>>
    %dma_start3A_1126 = tpu.memref_slice %arg2[%multiple_of3A_1122, %multiple_of3A_1119] : memref<2048x32000xf32, #tpu.memory_space<hbm>> -> memref<8x128xf32, #tpu.memory_space<hbm>>
    %dma_start3A_1127 = arith.constant 472 : i32
    %dma_start3A_1128 = arith.constant 0 : i32
    %dma_start3A_1129 = tpu.memref_slice %arg8[%dma_start3A_1127, %dma_start3A_1128] : memref<512x128xf32, #tpu.memory_space<vmem>> -> memref<8x128xf32, #tpu.memory_space<vmem>>
    %dma_start3A_1130 = tpu.memref_slice %arg2[%multiple_of3A_1122, %multiple_of3A_1119] : memref<2048x32000xf32, #tpu.memory_space<hbm>> -> memref<8x128xf32, #tpu.memory_space<hbm>>
    tpu.enqueue_dma source(%dma_start3A_1130 : memref<8x128xf32, #tpu.memory_space<hbm>>) target(%dma_start3A_1129 : memref<8x128xf32, #tpu.memory_space<vmem>>) target_semaphore(%arg10 : memref<!tpu.dma_semaphore, #tpu.memory_space<semaphore_mem>>)
    %slice3A_1131 = vector.extract_strided_slice %get3A_914 {offsets = [12], sizes = [1], strides = [1]} : vector<16xi32> to vector<1xi32>
    %squeeze3A_1132 = vector.extract %slice3A_1131[0] : i32 from vector<1xi32>
    %shift_right_arithmetic3A_1133 = arith.constant 7 : i32
    %shift_right_arithmetic3A_1134 = arith.shrsi %squeeze3A_1132, %shift_right_arithmetic3A_1133 : i32
    %shift_left3A_1135 = arith.constant 7 : i32
    %shift_left3A_1136 = arith.shli %shift_right_arithmetic3A_1134, %shift_left3A_1135 : i32
    %multiple_of3A_1137 = tpu.assume_multiple %shift_left3A_1136, 128 : i32
    %add3A_1138 = arith.constant 56 : i32
    %add3A_1139 = arith.addi %mul3A_2, %add3A_1138 : i32
    %multiple_of3A_1140 = tpu.assume_multiple %add3A_1139, 8 : i32
    %dma_start3A_1141 = arith.constant 480 : i32
    %dma_start3A_1142 = arith.constant 0 : i32
    %dma_start3A_1143 = tpu.memref_slice %arg8[%dma_start3A_1141, %dma_start3A_1142] : memref<512x128xf32, #tpu.memory_space<vmem>> -> memref<8x128xf32, #tpu.memory_space<vmem>>
    %dma_start3A_1144 = tpu.memref_slice %arg2[%multiple_of3A_1140, %multiple_of3A_1137] : memref<2048x32000xf32, #tpu.memory_space<hbm>> -> memref<8x128xf32, #tpu.memory_space<hbm>>
    %dma_start3A_1145 = arith.constant 480 : i32
    %dma_start3A_1146 = arith.constant 0 : i32
    %dma_start3A_1147 = tpu.memref_slice %arg8[%dma_start3A_1145, %dma_start3A_1146] : memref<512x128xf32, #tpu.memory_space<vmem>> -> memref<8x128xf32, #tpu.memory_space<vmem>>
    %dma_start3A_1148 = tpu.memref_slice %arg2[%multiple_of3A_1140, %multiple_of3A_1137] : memref<2048x32000xf32, #tpu.memory_space<hbm>> -> memref<8x128xf32, #tpu.memory_space<hbm>>
    tpu.enqueue_dma source(%dma_start3A_1148 : memref<8x128xf32, #tpu.memory_space<hbm>>) target(%dma_start3A_1147 : memref<8x128xf32, #tpu.memory_space<vmem>>) target_semaphore(%arg10 : memref<!tpu.dma_semaphore, #tpu.memory_space<semaphore_mem>>)
    %slice3A_1149 = vector.extract_strided_slice %get3A_914 {offsets = [13], sizes = [1], strides = [1]} : vector<16xi32> to vector<1xi32>
    %squeeze3A_1150 = vector.extract %slice3A_1149[0] : i32 from vector<1xi32>
    %shift_right_arithmetic3A_1151 = arith.constant 7 : i32
    %shift_right_arithmetic3A_1152 = arith.shrsi %squeeze3A_1150, %shift_right_arithmetic3A_1151 : i32
    %shift_left3A_1153 = arith.constant 7 : i32
    %shift_left3A_1154 = arith.shli %shift_right_arithmetic3A_1152, %shift_left3A_1153 : i32
    %multiple_of3A_1155 = tpu.assume_multiple %shift_left3A_1154, 128 : i32
    %add3A_1156 = arith.constant 56 : i32
    %add3A_1157 = arith.addi %mul3A_2, %add3A_1156 : i32
    %multiple_of3A_1158 = tpu.assume_multiple %add3A_1157, 8 : i32
    %dma_start3A_1159 = arith.constant 488 : i32
    %dma_start3A_1160 = arith.constant 0 : i32
    %dma_start3A_1161 = tpu.memref_slice %arg8[%dma_start3A_1159, %dma_start3A_1160] : memref<512x128xf32, #tpu.memory_space<vmem>> -> memref<8x128xf32, #tpu.memory_space<vmem>>
    %dma_start3A_1162 = tpu.memref_slice %arg2[%multiple_of3A_1158, %multiple_of3A_1155] : memref<2048x32000xf32, #tpu.memory_space<hbm>> -> memref<8x128xf32, #tpu.memory_space<hbm>>
    %dma_start3A_1163 = arith.constant 488 : i32
    %dma_start3A_1164 = arith.constant 0 : i32
    %dma_start3A_1165 = tpu.memref_slice %arg8[%dma_start3A_1163, %dma_start3A_1164] : memref<512x128xf32, #tpu.memory_space<vmem>> -> memref<8x128xf32, #tpu.memory_space<vmem>>
    %dma_start3A_1166 = tpu.memref_slice %arg2[%multiple_of3A_1158, %multiple_of3A_1155] : memref<2048x32000xf32, #tpu.memory_space<hbm>> -> memref<8x128xf32, #tpu.memory_space<hbm>>
    tpu.enqueue_dma source(%dma_start3A_1166 : memref<8x128xf32, #tpu.memory_space<hbm>>) target(%dma_start3A_1165 : memref<8x128xf32, #tpu.memory_space<vmem>>) target_semaphore(%arg10 : memref<!tpu.dma_semaphore, #tpu.memory_space<semaphore_mem>>)
    %slice3A_1167 = vector.extract_strided_slice %get3A_914 {offsets = [14], sizes = [1], strides = [1]} : vector<16xi32> to vector<1xi32>
    %squeeze3A_1168 = vector.extract %slice3A_1167[0] : i32 from vector<1xi32>
    %shift_right_arithmetic3A_1169 = arith.constant 7 : i32
    %shift_right_arithmetic3A_1170 = arith.shrsi %squeeze3A_1168, %shift_right_arithmetic3A_1169 : i32
    %shift_left3A_1171 = arith.constant 7 : i32
    %shift_left3A_1172 = arith.shli %shift_right_arithmetic3A_1170, %shift_left3A_1171 : i32
    %multiple_of3A_1173 = tpu.assume_multiple %shift_left3A_1172, 128 : i32
    %add3A_1174 = arith.constant 56 : i32
    %add3A_1175 = arith.addi %mul3A_2, %add3A_1174 : i32
    %multiple_of3A_1176 = tpu.assume_multiple %add3A_1175, 8 : i32
    %dma_start3A_1177 = arith.constant 496 : i32
    %dma_start3A_1178 = arith.constant 0 : i32
    %dma_start3A_1179 = tpu.memref_slice %arg8[%dma_start3A_1177, %dma_start3A_1178] : memref<512x128xf32, #tpu.memory_space<vmem>> -> memref<8x128xf32, #tpu.memory_space<vmem>>
    %dma_start3A_1180 = tpu.memref_slice %arg2[%multiple_of3A_1176, %multiple_of3A_1173] : memref<2048x32000xf32, #tpu.memory_space<hbm>> -> memref<8x128xf32, #tpu.memory_space<hbm>>
    %dma_start3A_1181 = arith.constant 496 : i32
    %dma_start3A_1182 = arith.constant 0 : i32
    %dma_start3A_1183 = tpu.memref_slice %arg8[%dma_start3A_1181, %dma_start3A_1182] : memref<512x128xf32, #tpu.memory_space<vmem>> -> memref<8x128xf32, #tpu.memory_space<vmem>>
    %dma_start3A_1184 = tpu.memref_slice %arg2[%multiple_of3A_1176, %multiple_of3A_1173] : memref<2048x32000xf32, #tpu.memory_space<hbm>> -> memref<8x128xf32, #tpu.memory_space<hbm>>
    tpu.enqueue_dma source(%dma_start3A_1184 : memref<8x128xf32, #tpu.memory_space<hbm>>) target(%dma_start3A_1183 : memref<8x128xf32, #tpu.memory_space<vmem>>) target_semaphore(%arg10 : memref<!tpu.dma_semaphore, #tpu.memory_space<semaphore_mem>>)
    %slice3A_1185 = vector.extract_strided_slice %get3A_914 {offsets = [15], sizes = [1], strides = [1]} : vector<16xi32> to vector<1xi32>
    %squeeze3A_1186 = vector.extract %slice3A_1185[0] : i32 from vector<1xi32>
    %shift_right_arithmetic3A_1187 = arith.constant 7 : i32
    %shift_right_arithmetic3A_1188 = arith.shrsi %squeeze3A_1186, %shift_right_arithmetic3A_1187 : i32
    %shift_left3A_1189 = arith.constant 7 : i32
    %shift_left3A_1190 = arith.shli %shift_right_arithmetic3A_1188, %shift_left3A_1189 : i32
    %multiple_of3A_1191 = tpu.assume_multiple %shift_left3A_1190, 128 : i32
    %add3A_1192 = arith.constant 56 : i32
    %add3A_1193 = arith.addi %mul3A_2, %add3A_1192 : i32
    %multiple_of3A_1194 = tpu.assume_multiple %add3A_1193, 8 : i32
    %dma_start3A_1195 = arith.constant 504 : i32
    %dma_start3A_1196 = arith.constant 0 : i32
    %dma_start3A_1197 = tpu.memref_slice %arg8[%dma_start3A_1195, %dma_start3A_1196] : memref<512x128xf32, #tpu.memory_space<vmem>> -> memref<8x128xf32, #tpu.memory_space<vmem>>
    %dma_start3A_1198 = tpu.memref_slice %arg2[%multiple_of3A_1194, %multiple_of3A_1191] : memref<2048x32000xf32, #tpu.memory_space<hbm>> -> memref<8x128xf32, #tpu.memory_space<hbm>>
    %dma_start3A_1199 = arith.constant 504 : i32
    %dma_start3A_1200 = arith.constant 0 : i32
    %dma_start3A_1201 = tpu.memref_slice %arg8[%dma_start3A_1199, %dma_start3A_1200] : memref<512x128xf32, #tpu.memory_space<vmem>> -> memref<8x128xf32, #tpu.memory_space<vmem>>
    %dma_start3A_1202 = tpu.memref_slice %arg2[%multiple_of3A_1194, %multiple_of3A_1191] : memref<2048x32000xf32, #tpu.memory_space<hbm>> -> memref<8x128xf32, #tpu.memory_space<hbm>>
    tpu.enqueue_dma source(%dma_start3A_1202 : memref<8x128xf32, #tpu.memory_space<hbm>>) target(%dma_start3A_1201 : memref<8x128xf32, #tpu.memory_space<vmem>>) target_semaphore(%arg10 : memref<!tpu.dma_semaphore, #tpu.memory_space<semaphore_mem>>)
    %dma_wait3A_1203 = arith.constant 0 : i32
    %dma_wait3A_1204 = tpu.memref_slice %arg4[%multiple_of3A, %dma_wait3A_1203] : memref<64x32xf32, #tpu.memory_space<hbm>> -> memref<8x32xf32, #tpu.memory_space<hbm>>
    %dma_wait3A_1205 = arith.constant 0 : i32
    %dma_wait3A_1206 = tpu.memref_slice %arg4[%multiple_of3A, %dma_wait3A_1205] : memref<64x32xf32, #tpu.memory_space<hbm>> -> memref<8x32xf32, #tpu.memory_space<hbm>>
    tpu.wait_dma2 semaphore(%arg11 : memref<!tpu.dma_semaphore, #tpu.memory_space<semaphore_mem>>) src(%dma_wait3A_1206 : memref<8x32xf32, #tpu.memory_space<hbm>>) dst(%arg7 : memref<8x32xf32, #tpu.memory_space<vmem>>)
    %dma_wait3A_1207 = arith.constant 0 : i32
    %dma_wait3A_1208 = arith.constant 0 : i32
    %dma_wait3A_1209 = tpu.memref_slice %arg2[%dma_wait3A_1207, %dma_wait3A_1208] : memref<2048x32000xf32, #tpu.memory_space<hbm>> -> memref<512x128xf32, #tpu.memory_space<hbm>>
    %dma_wait3A_1210 = arith.constant 0 : i32
    %dma_wait3A_1211 = arith.constant 0 : i32
    %dma_wait3A_1212 = tpu.memref_slice %arg2[%dma_wait3A_1210, %dma_wait3A_1211] : memref<2048x32000xf32, #tpu.memory_space<hbm>> -> memref<512x128xf32, #tpu.memory_space<hbm>>
    tpu.wait_dma2 semaphore(%arg10 : memref<!tpu.dma_semaphore, #tpu.memory_space<semaphore_mem>>) src(%dma_wait3A_1212 : memref<512x128xf32, #tpu.memory_space<hbm>>) dst(%arg8 : memref<512x128xf32, #tpu.memory_space<vmem>>)
    %broadcast_in_dim3A = arith.constant 0.000000e+00 : f32
    %broadcast_in_dim3A_1213 = vector.broadcast %broadcast_in_dim3A : f32 to vector<16xf32>
    %add3A_1214 = arith.constant 0 : i32
    %add3A_1215 = vector.broadcast %add3A_1214 : i32 to vector<16xi32>
    %add3A_1216 = arith.addi %add3A_1215, %iota3A : vector<16xi32>
    %and3A_1217 = arith.constant 7 : i32
    %and3A_1218 = vector.broadcast %and3A_1217 : i32 to vector<16xi32>
    %and3A_1219 = arith.andi %iota3A, %and3A_1218 : vector<16xi32>
    %add3A_1220 = arith.constant 0 : i32
    %add3A_1221 = arith.addi %sub3A_25, %add3A_1220 : i32
    %get3A_1222 = arith.index_cast %add3A_1221 : i32 to index
    %get3A_1223 = arith.constant 0 : index
    %get3A_1224 = tpu.vector_load %arg6[%get3A_1222, %get3A_1223] {strides = array<i32>} : memref<8x32xi32, #tpu.memory_space<vmem>>, vector<16xi32>,
    %and3A_1225 = arith.constant 127 : i32
    %and3A_1226 = vector.broadcast %and3A_1225 : i32 to vector<16xi32>
    %and3A_1227 = arith.andi %get3A_1224, %and3A_1226 : vector<16xi32>
    %mul3A_1228 = arith.constant 8 : i32
    %mul3A_1229 = vector.broadcast %mul3A_1228 : i32 to vector<16xi32>
    %mul3A_1230 = arith.muli %add3A_1216, %mul3A_1229 : vector<16xi32>
    %add3A_1231 = arith.addi %mul3A_1230, %and3A_1219 : vector<16xi32>
    %gather3A = tpu.vector_load_idx %arg8[%add3A_1231, %and3A_1227] : memref<512x128xf32, #tpu.memory_space<vmem>>[vector<16xi32>, vector<16xi32>], vector<16xf32>,
    %add3A_1232 = arith.constant 0 : i32
    %add3A_1233 = arith.addi %sub3A_25, %add3A_1232 : i32
    %get3A_1234 = arith.index_cast %add3A_1233 : i32 to index
    %get3A_1235 = arith.constant 0 : index
    %get3A_1236 = tpu.vector_load %arg7[%get3A_1234, %get3A_1235] {strides = array<i32>} : memref<8x32xf32, #tpu.memory_space<vmem>>, vector<16xf32>,
    %mul3A_1237 = arith.mulf %gather3A, %get3A_1236 : vector<16xf32>
    %add3A_1238 = arith.addf %broadcast_in_dim3A_1213, %mul3A_1237 : vector<16xf32>
    %add3A_1239 = arith.constant 16 : i32
    %add3A_1240 = vector.broadcast %add3A_1239 : i32 to vector<16xi32>
    %add3A_1241 = arith.addi %add3A_1240, %iota3A : vector<16xi32>
    %and3A_1242 = arith.constant 7 : i32
    %and3A_1243 = vector.broadcast %and3A_1242 : i32 to vector<16xi32>
    %and3A_1244 = arith.andi %iota3A, %and3A_1243 : vector<16xi32>
    %add3A_1245 = arith.constant 0 : i32
    %add3A_1246 = arith.addi %sub3A_25, %add3A_1245 : i32
    %get3A_1247 = arith.index_cast %add3A_1246 : i32 to index
    %get3A_1248 = arith.constant 16 : index
    %get3A_1249 = tpu.vector_load %arg6[%get3A_1247, %get3A_1248] {strides = array<i32>} : memref<8x32xi32, #tpu.memory_space<vmem>>, vector<16xi32>,
    %and3A_1250 = arith.constant 127 : i32
    %and3A_1251 = vector.broadcast %and3A_1250 : i32 to vector<16xi32>
    %and3A_1252 = arith.andi %get3A_1249, %and3A_1251 : vector<16xi32>
    %mul3A_1253 = arith.constant 8 : i32
    %mul3A_1254 = vector.broadcast %mul3A_1253 : i32 to vector<16xi32>
    %mul3A_1255 = arith.muli %add3A_1241, %mul3A_1254 : vector<16xi32>
    %add3A_1256 = arith.addi %mul3A_1255, %and3A_1244 : vector<16xi32>
    %gather3A_1257 = tpu.vector_load_idx %arg8[%add3A_1256, %and3A_1252] : memref<512x128xf32, #tpu.memory_space<vmem>>[vector<16xi32>, vector<16xi32>], vector<16xf32>,
    %add3A_1258 = arith.constant 0 : i32
    %add3A_1259 = arith.addi %sub3A_25, %add3A_1258 : i32
    %get3A_1260 = arith.index_cast %add3A_1259 : i32 to index
    %get3A_1261 = arith.constant 16 : index
    %get3A_1262 = tpu.vector_load %arg7[%get3A_1260, %get3A_1261] {strides = array<i32>} : memref<8x32xf32, #tpu.memory_space<vmem>>, vector<16xf32>,
    %mul3A_1263 = arith.mulf %gather3A_1257, %get3A_1262 : vector<16xf32>
    %add3A_1264 = arith.addf %add3A_1238, %mul3A_1263 : vector<16xf32>
    %add3A_1265 = arith.constant 32 : i32
    %add3A_1266 = vector.broadcast %add3A_1265 : i32 to vector<16xi32>
    %add3A_1267 = arith.addi %add3A_1266, %iota3A : vector<16xi32>
    %and3A_1268 = arith.constant 7 : i32
    %and3A_1269 = vector.broadcast %and3A_1268 : i32 to vector<16xi32>
    %and3A_1270 = arith.andi %iota3A, %and3A_1269 : vector<16xi32>
    %add3A_1271 = arith.constant 1 : i32
    %add3A_1272 = arith.addi %sub3A_25, %add3A_1271 : i32
    %get3A_1273 = arith.index_cast %add3A_1272 : i32 to index
    %get3A_1274 = arith.constant 0 : index
    %get3A_1275 = tpu.vector_load %arg6[%get3A_1273, %get3A_1274] {strides = array<i32>} : memref<8x32xi32, #tpu.memory_space<vmem>>, vector<16xi32>,
    %and3A_1276 = arith.constant 127 : i32
    %and3A_1277 = vector.broadcast %and3A_1276 : i32 to vector<16xi32>
    %and3A_1278 = arith.andi %get3A_1275, %and3A_1277 : vector<16xi32>
    %mul3A_1279 = arith.constant 8 : i32
    %mul3A_1280 = vector.broadcast %mul3A_1279 : i32 to vector<16xi32>
    %mul3A_1281 = arith.muli %add3A_1267, %mul3A_1280 : vector<16xi32>
    %add3A_1282 = arith.addi %mul3A_1281, %and3A_1270 : vector<16xi32>
    %gather3A_1283 = tpu.vector_load_idx %arg8[%add3A_1282, %and3A_1278] : memref<512x128xf32, #tpu.memory_space<vmem>>[vector<16xi32>, vector<16xi32>], vector<16xf32>,
    %add3A_1284 = arith.constant 1 : i32
    %add3A_1285 = arith.addi %sub3A_25, %add3A_1284 : i32
    %get3A_1286 = arith.index_cast %add3A_1285 : i32 to index
    %get3A_1287 = arith.constant 0 : index
    %get3A_1288 = tpu.vector_load %arg7[%get3A_1286, %get3A_1287] {strides = array<i32>} : memref<8x32xf32, #tpu.memory_space<vmem>>, vector<16xf32>,
    %mul3A_1289 = arith.mulf %gather3A_1283, %get3A_1288 : vector<16xf32>
    %add3A_1290 = arith.addf %add3A_1264, %mul3A_1289 : vector<16xf32>
    %add3A_1291 = arith.constant 48 : i32
    %add3A_1292 = vector.broadcast %add3A_1291 : i32 to vector<16xi32>
    %add3A_1293 = arith.addi %add3A_1292, %iota3A : vector<16xi32>
    %and3A_1294 = arith.constant 7 : i32
    %and3A_1295 = vector.broadcast %and3A_1294 : i32 to vector<16xi32>
    %and3A_1296 = arith.andi %iota3A, %and3A_1295 : vector<16xi32>
    %add3A_1297 = arith.constant 1 : i32
    %add3A_1298 = arith.addi %sub3A_25, %add3A_1297 : i32
    %get3A_1299 = arith.index_cast %add3A_1298 : i32 to index
    %get3A_1300 = arith.constant 16 : index
    %get3A_1301 = tpu.vector_load %arg6[%get3A_1299, %get3A_1300] {strides = array<i32>} : memref<8x32xi32, #tpu.memory_space<vmem>>, vector<16xi32>,
    %and3A_1302 = arith.constant 127 : i32
    %and3A_1303 = vector.broadcast %and3A_1302 : i32 to vector<16xi32>
    %and3A_1304 = arith.andi %get3A_1301, %and3A_1303 : vector<16xi32>
    %mul3A_1305 = arith.constant 8 : i32
    %mul3A_1306 = vector.broadcast %mul3A_1305 : i32 to vector<16xi32>
    %mul3A_1307 = arith.muli %add3A_1293, %mul3A_1306 : vector<16xi32>
    %add3A_1308 = arith.addi %mul3A_1307, %and3A_1296 : vector<16xi32>
    %gather3A_1309 = tpu.vector_load_idx %arg8[%add3A_1308, %and3A_1304] : memref<512x128xf32, #tpu.memory_space<vmem>>[vector<16xi32>, vector<16xi32>], vector<16xf32>,
    %add3A_1310 = arith.constant 1 : i32
    %add3A_1311 = arith.addi %sub3A_25, %add3A_1310 : i32
    %get3A_1312 = arith.index_cast %add3A_1311 : i32 to index
    %get3A_1313 = arith.constant 16 : index
    %get3A_1314 = tpu.vector_load %arg7[%get3A_1312, %get3A_1313] {strides = array<i32>} : memref<8x32xf32, #tpu.memory_space<vmem>>, vector<16xf32>,
    %mul3A_1315 = arith.mulf %gather3A_1309, %get3A_1314 : vector<16xf32>
    %add3A_1316 = arith.addf %add3A_1290, %mul3A_1315 : vector<16xf32>
    %swap3A = arith.constant 0 : index
    %swap3A_1317 = tpu.vector_load %arg9[%swap3A] {strides = array<i32>} : memref<16xf32, #tpu.memory_space<vmem>>, vector<16xf32>,
    tpu.vector_store %arg9[%swap3A], %add3A_1316 {strides = array<i32>} : memref<16xf32, #tpu.memory_space<vmem>>, vector<16xf32>,
    "tpu.region"() ({
      %run_scoped3A = tpu.sem_alloc : memref<!tpu.dma_semaphore, #tpu.memory_space<semaphore_mem>>
      %dma_start3A_1318 = arith.constant 0 : i32
      %dma_start3A_1319 = tpu.memref_slice %arg5[%add3A, %dma_start3A_1318] : memref<32x16xf32, #tpu.memory_space<hbm>> -> memref<1x16xf32, #tpu.memory_space<hbm>>
      %dma_start3A_1320 = tpu.memref_squeeze %dma_start3A_1319 : memref<1x16xf32, #tpu.memory_space<hbm>> -> memref<16xf32, #tpu.memory_space<hbm>>
      %dma_start3A_1321 = arith.constant 0 : i32
      %dma_start3A_1322 = tpu.memref_slice %arg5[%add3A, %dma_start3A_1321] : memref<32x16xf32, #tpu.memory_space<hbm>> -> memref<1x16xf32, #tpu.memory_space<hbm>>
      %dma_start3A_1323 = tpu.memref_squeeze %dma_start3A_1322 : memref<1x16xf32, #tpu.memory_space<hbm>> -> memref<16xf32, #tpu.memory_space<hbm>>
      tpu.enqueue_dma source(%arg9 : memref<16xf32, #tpu.memory_space<vmem>>) target(%dma_start3A_1323 : memref<16xf32, #tpu.memory_space<hbm>>) target_semaphore(%run_scoped3A : memref<!tpu.dma_semaphore, #tpu.memory_space<semaphore_mem>>)
      %dma_wait3A_1324 = arith.constant 0 : i32
      %dma_wait3A_1325 = tpu.memref_slice %arg5[%add3A, %dma_wait3A_1324] : memref<32x16xf32, #tpu.memory_space<hbm>> -> memref<1x16xf32, #tpu.memory_space<hbm>>
      %dma_wait3A_1326 = tpu.memref_squeeze %dma_wait3A_1325 : memref<1x16xf32, #tpu.memory_space<hbm>> -> memref<16xf32, #tpu.memory_space<hbm>>
      %dma_wait3A_1327 = arith.constant 0 : i32
      %dma_wait3A_1328 = tpu.memref_slice %arg5[%add3A, %dma_wait3A_1327] : memref<32x16xf32, #tpu.memory_space<hbm>> -> memref<1x16xf32, #tpu.memory_space<hbm>>
      %dma_wait3A_1329 = tpu.memref_squeeze %dma_wait3A_1328 : memref<1x16xf32, #tpu.memory_space<hbm>> -> memref<16xf32, #tpu.memory_space<hbm>>
      tpu.wait_dma2 semaphore(%run_scoped3A : memref<!tpu.dma_semaphore, #tpu.memory_space<semaphore_mem>>) src(%arg9 : memref<16xf32, #tpu.memory_space<vmem>>) dst(%dma_wait3A_1329 : memref<16xf32, #tpu.memory_space<hbm>>)
      tpu.yield
    }) : () -> ()
    return
  }
}

</mosaic_0001>

<sc_bundles>
// kernel: kernel.3.cloned.1.call-start
scs
__scs_entry_jumppad:
0x0: {  	(pc) =	sbr.rel $0x88, $3  }
0x1: {  	(tag) =	ssettag $0x0;
	lr =	simm.s32 $0x1  }
0x2: {  	[smem:$0x3F9E] =	sst lr;
	_ =	strace $0xD0000000  }
0x3: {  	_ = 	snop  }
0x4: {  	_ = 	snop  }
0x5: {  	_ = 	snop  }
0x6: {  	_ = 	snop  }
0x7: {  	_ = 	snop  }
__scs_overlays_trampoline_lowered:
0x8: {  	[smem:$0x3FAD] =	sst s0  }
0x9: {  	[smem:$0x3FAE] =	sst s1  }
0xa: {  	[smem:$0x3FAF] =	sst s2  }
0xb: {  	[smem:$0x3FB0] =	sst s3  }
0xc: {  	[smem:$0x3FB1] =	sst s4  }
0xd: {  	[smem:$0x3FB2] =	sst s5  }
0xe: {  	[smem:$0x3FB3] =	sst s6  }
0xf: {  	[smem:$0x3FB4] =	sst s7  }
0x10: {  	[smem:$0x3FB5] =	sst s8  }
0x11: {  	[smem:$0x3FB6] =	sst s9;
	s0 =	simm.s32 @!p0 $0x0  }
0x12: {  	s1 =	sld [smem:$0x3F9C];
	s0 =	simm.s32 @p0 $0x1  }
0x13: {  	[smem:$0x3FB7] =	sst s0;
	s0 =	simm.s32 @!p1 $0x0  }
0x14: {  	s2 =	sld [smem:$0x3F9B];
	s0 =	simm.s32 @p1 $0x1  }
0x15: {  	[smem:$0x3FB8] =	sst s0;
	s0 =	simm.s32 @!p2 $0x0  }
0x16: {  	s3 =	sld [smem:$0x3FDB];
	s0 =	simm.s32 @p2 $0x1  }
0x17: {  	s4 =	simm.s32 $0x1BF5;
	[smem:$0x3FBA] =	sst s0  }
0x18: {  	s0 =	sld [smem:$0x3F9D];
	_ =	swait.ge [sflag:s4], $0x0  }
0x19: {  	s7 =	sld [smem:$0x3F9E]  }
0x1a: {  	s8 =	sadd.s32 $0xFFFFE003, lr  }
0x1b: {  	s9 =	sadd.s32 $0xFFFFFEF7, lr;
	s5 =	simm.s32 $0xFFFFFFFF;
	p2 =	slt.u32 s8, $0xFFFFF086  }
0x1c: {  	p1 =	slt.u32 s9, $0xF7A;
	s5 =	simm.s32 @!p2 $0x0  }
0x1d: {  	s5 =	simm.s32 @p1 $0x1;
	p0 =	seq.s32 s7, s2  }
0x1e: {  	s7 =	smul.u32 @!p0 $0xF7A, s2;
	p2 =	seq.s32 @!p0 s5, $0x0  }
0x1f: {  	s9 =	smul.u32 $0xF7A, s1;
	s8 =	simm.s32 @!p0 $0x1BF5;
	p2 =	por !p2, p0  }
0x20: {  	[sflag:s8] =	ssyncset.s32 @!p0 $0xFFFFF086;
	s6 =	sadd.s32 @!p0 s3, s7;
	s7 =	simm.s32 @!p0 $0x108  }
0x21: {  	s3 =	sadd.s32 s3, s9;
	s6 =	sadd.s32 @!p0 $0x88, s6;
	s7 =	simm.s32 @p2 $0x1082  }
0x22: {  	[simem:s7], [sflag:s8] =	dma.local @!p0 [hbm:s6], $0xF7A  }
0x23: {  	s9 =	sor.u32 $0xD0000000, s2;
	s6 =	simm.s32 $0x108;
	_ =	swait.ge @!p0 [sflag:s8], $0x0  }
0x24: {  	s3 =	sadd.s32 $0x88, s3;
	s6 =	simm.s32 @!p1 $0x1082;
	[sflag:s4] =	ssyncset.s32 $0xFFFFF086  }
0x25: {  	[simem:s6], [sflag:s4] =	dma.local [hbm:s3], $0xF7A  }
0x26: {  	[smem:$0x3F9E] =	sst s1;
	(tag) =	ssettag s2;
	_ =	strace s9  }
0x27: {  	s1 =	sld [smem:$0x3FAE]  }
0x28: {  	s2 =	sld [smem:$0x3FAF]  }
0x29: {  	s4 =	sld [smem:$0x3FB1]  }
0x2a: {  	p0 =	seq.s32 s5, $0x0;
	s5 =	sld [smem:$0x3FB2]  }
0x2b: {  	s6 =	sld [smem:$0x3FB3]  }
0x2c: {  	s7 =	sld [smem:$0x3FB4]  }
0x2d: {  	s3 =	simm.s32 $0x108;
	s8 =	sld [smem:$0x3FB5]  }
0x2e: {  	s3 =	simm.s32 @!p0 $0x1082;
	s9 =	sld [smem:$0x3FB6]  }
0x2f: {  	lr =	sadd.s32 s0, s3;
	s0 =	sld [smem:$0x3FAD]  }
0x30: {  	s3 =	sld [smem:$0x3FB0]  }
0x31: {  	[smem:$0x3FB9] =	sst s10  }
0x32: {  	s10 =	sld [smem:$0x3FB7];
	_ =	sdelay $0x3  }
0x33: {  	p0 =	seq.s32 s10, $0x1;
	s10 =	sld [smem:$0x3FB9];
	_ =	sdelay $0x3  }
0x34: {  	[smem:$0x3FB9] =	sst s10  }
0x35: {  	s10 =	sld [smem:$0x3FB8];
	_ =	sdelay $0x3  }
0x36: {  	p1 =	seq.s32 s10, $0x1;
	s10 =	sld [smem:$0x3FB9];
	_ =	sdelay $0x3  }
0x37: {  	[smem:$0x3FB9] =	sst s10  }
0x38: {  	s10 =	sld [smem:$0x3FBA]  }
0x39: {  	_ = 	snop;
	(pc) =	sbr.ind lr, $3  }
0x3a: {  	_ = 	snop  }
0x3b: {  	_ = 	snop  }
0x3c: {  	p2 =	seq.s32 s10, $0x1;
	s10 =	sld [smem:$0x3FB9]  }
0x3d: {  	_ =	shalt  }
0x3e: {  	_ =	shalt  }
0x3f: {  	_ =	shalt  }
0x40: {  	_ =	shalt  }
0x41: {  	_ =	shalt  }
0x42: {  	_ =	shalt  }
0x43: {  	_ =	shalt  }
0x44: {  	_ =	shalt  }
0x45: {  	_ =	shalt  }
0x46: {  	_ =	shalt  }
0x47: {  	_ =	shalt  }
0x48: {  	_ =	shalt  }
0x49: {  	_ =	shalt  }
0x4a: {  	_ =	shalt  }
0x4b: {  	_ =	shalt  }
0x4c: {  	_ =	shalt  }
0x4d: {  	_ =	shalt  }
0x4e: {  	_ =	shalt  }
0x4f: {  	_ =	shalt  }
0x50: {  	_ =	shalt  }
0x51: {  	_ =	shalt  }
0x52: {  	_ =	shalt  }
0x53: {  	_ =	shalt  }
0x54: {  	_ =	shalt  }
0x55: {  	_ =	shalt  }
0x56: {  	_ =	shalt  }
0x57: {  	_ =	shalt  }
0x58: {  	_ =	shalt  }
0x59: {  	_ =	shalt  }
0x5a: {  	_ =	shalt  }
0x5b: {  	_ =	shalt  }
0x5c: {  	_ =	shalt  }
0x5d: {  	_ =	shalt  }
0x5e: {  	_ =	shalt  }
0x5f: {  	_ =	shalt  }
0x60: {  	_ =	shalt  }
0x61: {  	_ =	shalt  }
0x62: {  	_ =	shalt  }
0x63: {  	_ =	shalt  }
0x64: {  	_ =	shalt  }
0x65: {  	_ =	shalt  }
0x66: {  	_ =	shalt  }
0x67: {  	_ =	shalt  }
0x68: {  	_ =	shalt  }
0x69: {  	_ =	shalt  }
0x6a: {  	_ =	shalt  }
0x6b: {  	_ =	shalt  }
0x6c: {  	_ =	shalt  }
0x6d: {  	_ =	shalt  }
0x6e: {  	_ =	shalt  }
0x6f: {  	_ =	shalt  }
0x70: {  	_ =	shalt  }
0x71: {  	_ =	shalt  }
0x72: {  	_ =	shalt  }
0x73: {  	_ =	shalt  }
0x74: {  	_ =	shalt  }
0x75: {  	_ =	shalt  }
0x76: {  	_ =	shalt  }
0x77: {  	_ =	shalt  }
0x78: {  	_ =	shalt  }
0x79: {  	_ =	shalt  }
0x7a: {  	_ =	shalt  }
0x7b: {  	_ =	shalt  }
0x7c: {  	_ =	shalt  }
0x7d: {  	_ =	shalt  }
0x7e: {  	_ =	shalt  }
0x7f: {  	_ =	shalt  }
0x80: {  	_ =	shalt  }
0x81: {  	_ =	shalt  }
0x82: {  	_ =	shalt  }
0x83: {  	_ =	shalt  }
0x84: {  	_ =	shalt  }
0x85: {  	_ =	shalt  }
0x86: {  	_ =	shalt  }
0x87: {  	_ =	shalt  }
.Lfunc_end0:
.L_simem_size_0:
called_computation_lowered:
.L_overlay_start_0:
0x88: {  	s2 =	sld [smem:$0x3FD9]  }
0x89: {  	s3 =	sld [smem:$0x3FFE];
	_ =	sdelay $0x1  }
0x8a: {  	s1 =	srdreg.scid  }
0x8b: {  	s0 =	sand.u32 $0x1, s1  }
0x8c: {  	s17 =	sshll.u32 s0, $0xA;
	s2 =	sadd.s32 s3, s2  }
0x8d: {  	s2 =	sadd.s32 s2, s17  }
0x8e: {  	[smem:$0x3FC5] =	sst s2  }
0x8f: {  	_ = 	snop  }
0x90: {  	s2 =	sld [smem:$0x3FC9];
	(tm) =	ssettm $0x1  }
0x91: {  	s18 =	sld [smem:$0x3FFB];
	_ =	sdelay $0x3  }
0x92: {  	_ =	strace s18  }
0x93: {  	s3 =	sld [smem:$0x3FFC];
	_ =	sdelay $0x3  }
0x94: {  	_ =	strace s3  }
0x95: {  	s3 =	sld [smem:$0x3FFD];
	_ =	sdelay $0x3  }
0x96: {  	_ =	strace s3  }
0x97: {  	_ =	strace $0x8FFFFFFF  }
0x98: {  	s19 =	sld [smem:$0x3FDB];
	_ =	sdelay $0x1  }
0x99: {  	s4 =	simm.s32 $_scs_section_size  }
0x9a: {  	s5 =	simm.s32 $_size__tile_overlayer_lowered;
	s6 =	simm.s32 $_tile_overlayer_lowered  }
0x9b: {  	s22 =	simm.s32 $0x1BFF;
	s21 =	sshll.u32 s6, $0x1;
	s3 =	sadd.s32 s4, s19  }
0x9c: {  	s7 =	simm.s32 $0x0;
	s20 =	sshll.u32 s5, $0x1;
	s5 =	sadd.s32 s21, s3  }
0x9d: {  	[timem:s7], [sflag:s22] =	dma.local [hbm:s5], s20  }
0x9e: {  	_ =	swait.ge [sflag:s22], s20  }
0x9f: {  	s4 =	ssub.s32 $0x0, s20;
	[sflag:s22] =	ssyncset.done $0x0  }
0xa0: {  	[sflag:s22] =	ssyncadd.s32 s4;
	_ =	sdelay $0x1  }
0xa1: {  	s23 =	simm.s32 $0x1B8B  }
0xa2: {  	_ =	swait.ge [sflag:s23], $0x1  }
0xa3: {  	[sflag:s23] =	ssyncset.done $0x0  }
0xa4: {  	s25 =	simm.s32 $0x1B8E;
	s24 =	sld [smem:$0x3FFE];
	[sflag:s23] =	ssyncadd.s32 $0xFFFFFFFF  }
0xa5: {  	s26 =	simm.s32 $execute0_lowered;
	[smem:$0x3FD2] =	sst s25  }
0xa6: {  	s5 =	sshll.u32 s26, $0x1;
	_ =	strace $0x80000046;
	[dreg:$0x1] =	wrdreg $0xFFFFFFFF  }
0xa7: {  	s28 =	simm.s32 $_size_execute0_lowered;
	s3 =	sadd.s32 s3, s5;
	[dreg:$0x0] =	wrdreg $0x0  }
0xa8: {  	s5 =	sshll.u32 s28, $0x1;
	[dreg:$0x2] =	wrdreg s3  }
0xa9: {  	[dreg:$0x3] =	wrdreg s5  }
0xaa: {  	[dreg:$0x4] =	wrdreg $0xC0  }
0xab: {  	_ =	task [dreg:s7], $0x5FFFF  }
0xac: {  	[dreg:$0x1] =	wrdreg $0xFFFFFFFF  }
0xad: {  	[dreg:$0x0] =	wrdreg $0x60  }
0xae: {  	[dreg:$0x2] =	wrdreg s2  }
0xaf: {  	[dreg:$0x3] =	wrdreg s24  }
0xb0: {  	[dreg:$0x4] =	wrdreg $0x9  }
0xb1: {  	_ =	task.clear_ibuf [dreg:s7], $0x5FFFF;
	_ =	strace $0x90000046  }
0xb2: {  	s29 =	simm.s32 $0x9;
	_ =	strace $0x80000048  }
0xb3: {  	_ =	swait.ge [sflag:s29], $0x1  }
0xb4: {  	[sflag:s29] =	ssyncadd.s32 $0xFFFFFFFF  }
0xb5: {  	_ =	strace $0x90000048  }
0xb6: {  	_ =	sfence  }
0xb7: {  	s30 =	sld [smem:$0x0];
	_ =	sdelay $0x2  }
0xb8: {  	s31 =	sshll.u32 s1, $0xD;
	s1 =	sshrl.u32 s1, $0x2  }
0xb9: {  	s3 =	sand.u32 $0x4000, s31;
	s1 =	sadd.s32 s1, s30  }
0xba: {  	s0 =	sor.u32 s3, s0;
	s1 =	sshll.u32 s1, $0x11  }
0xbb: {  	s0 =	sor.u32 s1, s0  }
0xbc: {  	s0 =	sadd.s32 $0x8F2B, s0  }
0xbd: {  	[sflag:s0] =	ssyncadd.remote.s32 $0x1  }
0xbe: {  	_ =	sfence.sel $0xFFFF  }
0xbf: {  	[dreg:$0x0] =	wrdreg $0xFFFFFFFF;
	(pc) =	sbr.abs _section_cstart, $3  }
0xc0: {  	[dreg:$0x1] =	wrdreg $0xFFFFFFFF  }
0xc1: {  	_ =	task.clear_ibuf [dreg:s7], $0x2FFFF;
	_ =	strace $0x9FFFFFFF  }
0xc2: {  	(tm) =	ssettm $0x7FFFFFFF  }
0xc3: {  	_ =	shalt  }
tec
execute0_lowered:
.L_overlay_start_1:
0x0: {  	(tag) =	ssettag $0x1  }
0x1: {  	s2 =	rddreg [dreg:$0x0]  }
0x2: {  	s8 =	rddreg [dreg:$0x1];
	s3 =	srdreg.scid  }
0x3: {  	s0 =	rddreg [dreg:$0x2];
	s7 =	sand.u32 $0x1, s3;
	s3 =	simm.s32 $0x0  }
0x4: {  	s19 =	simm.s32 $0x400;
	[smem:$0x7FF] =	sst s3  }
0x5: {  	s20 =	simm.s32 $0xC00;
	_ =	strace $0x80000047;
	[dreg:$0x5] =	wrdreg s19  }
0x6: {  	s21 =	simm.s32 $0x1000;
	[dreg:$0x6] =	wrdreg s20  }
0x7: {  	s22 =	simm.s32 $0x1400;
	[dreg:$0x7] =	wrdreg s21  }
0x8: {  	s23 =	simm.s32 $0x1800;
	[dreg:$0x8] =	wrdreg s22  }
0x9: {  	s24 =	simm.s32 $0x1C00;
	[dreg:$0x9] =	wrdreg s23  }
0xa: {  	s25 =	simm.s32 $0x2000;
	[dreg:$0xa] =	wrdreg s24  }
0xb: {  	s26 =	simm.s32 $0x2400;
	[dreg:$0xb] =	wrdreg s25  }
0xc: {  	s28 =	simm.s32 $0x2800;
	[dreg:$0xc] =	wrdreg s26  }
0xd: {  	s29 =	simm.s32 $0x2C00;
	[dreg:$0xd] =	wrdreg s28  }
0xe: {  	s30 =	simm.s32 $0x3000;
	[dreg:$0xe] =	wrdreg s29  }
0xf: {  	s31 =	simm.s32 $0x3400;
	[dreg:$0xf] =	wrdreg s30  }
0x10: {  	s10 =	simm.s32 $0x3C00;
	[dreg:$0x10] =	wrdreg s31  }
0x11: {  	s11 =	simm.s32 $0x4000;
	[dreg:$0x12] =	wrdreg s10  }
0x12: {  	s1 =	stileid.u32;
	s12 =	simm.s32 $0x4400;
	[dreg:$0x13] =	wrdreg s11  }
0x13: {  	s13 =	simm.s32 $0x4800;
	s14 =	simm.s32 $0x4C00;
	[dreg:$0x14] =	wrdreg s12  }
0x14: {  	s15 =	simm.s32 $0x5000;
	s16 =	simm.s32 $0x5400;
	[dreg:$0x15] =	wrdreg s13  }
0x15: {  	s4 =	sshll.u32 s1, $0x1;
	s6 =	sshrl.u32 s1, $0x1;
	[dreg:$0x16] =	wrdreg s14  }
0x16: {  	s5 =	sor.u32 s7, s4;
	s17 =	sshll.u32 s6, $0x7;
	[dreg:$0x17] =	wrdreg s15  }
0x17: {  	s4 =	sadd.s32 s8, s17;
	[dreg:$0x18] =	wrdreg s16;
	s17 =	simm.s32 $0x5800  }
0x18: {  	s19 =	simm.s32 $0x6000;
	[dreg:$0x19] =	wrdreg s17  }
0x19: {  	s20 =	simm.s32 $0x6400;
	[dreg:$0x1b] =	wrdreg s19  }
0x1a: {  	s21 =	simm.s32 $0x6800;
	[dreg:$0x1c] =	wrdreg s20  }
0x1b: {  	s22 =	simm.s32 $0x6C00;
	[dreg:$0x1d] =	wrdreg s21  }
0x1c: {  	s23 =	simm.s32 $0x7000;
	[dreg:$0x1e] =	wrdreg s22  }
0x1d: {  	s24 =	simm.s32 $0x7400;
	[dreg:$0x1f] =	wrdreg s23  }
0x1e: {  	s25 =	simm.s32 $0x7800;
	[smem:$0x7D8] =	sst s24  }
0x1f: {  	s26 =	simm.s32 $0x7C00;
	[smem:$0x7D9] =	sst s25  }
0x20: {  	s28 =	simm.s32 $0x8000;
	[smem:$0x7DA] =	sst s26  }
0x21: {  	s29 =	simm.s32 $0x8400;
	[smem:$0x7DB] =	sst s28  }
0x22: {  	s30 =	simm.s32 $0x8800;
	[smem:$0x7DC] =	sst s29  }
0x23: {  	s31 =	simm.s32 $0x8C00;
	[smem:$0x7DD] =	sst s30  }
0x24: {  	s10 =	simm.s32 $0x9400;
	[smem:$0x7DE] =	sst s31  }
0x25: {  	s11 =	simm.s32 $0x9800;
	[smem:$0x7E0] =	sst s10  }
0x26: {  	s12 =	simm.s32 $0x9C00;
	[smem:$0x7E1] =	sst s11  }
0x27: {  	s13 =	simm.s32 $0xA000;
	[smem:$0x7E2] =	sst s12  }
0x28: {  	s14 =	simm.s32 $0xA400;
	[smem:$0x7E3] =	sst s13  }
0x29: {  	s15 =	simm.s32 $0xA800;
	[smem:$0x7E4] =	sst s14  }
0x2a: {  	s16 =	simm.s32 $0xAC00;
	[smem:$0x7E5] =	sst s15  }
0x2b: {  	s9 =	sshll.u32 s5, $0x4;
	s18 =	sadd.s32 $0x400, s4;
	[smem:$0x7E6] =	sst s16  }
0x2c: {  	s8 =	sadd.s32 s9, s8;
	s9 =	simm.s32 $0x3800;
	[dreg:$0x3] =	wrdreg s18  }
0x2d: {  	s17 =	simm.s32 $0xB000;
	[dreg:$0x11] =	wrdreg s9  }
0x2e: {  	s19 =	simm.s32 $0xB800;
	[smem:$0x7E7] =	sst s17  }
0x2f: {  	v0 =	vimm.s32 $0x3F80;
	s20 =	simm.s32 $0xBC00;
	[smem:$0x7E9] =	sst s19  }
0x30: {  	vm14 =	vcmask $0x300;
	vm13 =	vcmask $0x704;
	vm12 =	vcmask $0xB08;
	s22 =	simm.s32 $0xC000;
	[smem:$0x7EA] =	sst s20  }
0x31: {  	vm11 =	vcmask $0xF0C;
	vm10 =	vcmask $0x1310;
	vm9 =	vcmask $0x1714;
	s23 =	simm.s32 $0xC400;
	[smem:$0x7EB] =	sst s22  }
0x32: {  	vm8 =	vcmask $0x1B18;
	vm7 =	vcmask $0x1F1C;
	vm6 =	vcmask $0x2320;
	s24 =	simm.s32 $0xC800;
	[smem:$0x7EC] =	sst s23  }
0x33: {  	vm5 =	vcmask $0x2724;
	vm4 =	vcmask $0x2B28;
	vm3 =	vcmask $0x2F2C;
	s26 =	simm.s32 $0xCC00;
	[smem:$0x7ED] =	sst s24  }
0x34: {  	vm0 =	vcmask $0x3330;
	vm1 =	vcmask $0x3734;
	vm2 =	vcmask $0x3B38;
	s28 =	simm.s32 $0xD000;
	[smem:$0x7EE] =	sst s26  }
0x35: {  	v1 =	vimm.s32 $0x7F80;
	v2 =	vimm.s32 $0xBF80;
	v3 =	vimm.s32 $0xFF80;
	s29 =	simm.s32 $0xD400;
	[smem:$0x7EF] =	sst s28  }
0x36: {  	v0 =	vsel vm14, $0x0, v0;
	v1 =	vsel vm14, $0x4000, v1;
	v2 =	vsel vm14, $0x8000, v2;
	s30 =	simm.s32 $0xD800;
	[smem:$0x7F0] =	sst s29  }
0x37: {  	v3 =	vsel vm14, $0xC000, v3;
	v0 =	vsel vm13, $0x480, v0;
	v1 =	vsel vm13, $0x4480, v1;
	s10 =	simm.s32 $0xDC00;
	[smem:$0x7F1] =	sst s30  }
0x38: {  	v2 =	vsel vm13, $0x8480, v2;
	v3 =	vsel vm13, $0xC480, v3;
	v0 =	vsel vm12, $0x900, v0;
	s11 =	simm.s32 $0xE000;
	[smem:$0x7F2] =	sst s10  }
0x39: {  	s7 =	ssub.s32 $0x2, s7;
	v1 =	vsel vm12, $0x4900, v1;
	v2 =	vsel vm12, $0x8900, v2;
	v3 =	vsel vm12, $0xC900, v3;
	s12 =	simm.s32 $0xE400;
	[smem:$0x7F3] =	sst s11  }
0x3a: {  	s6 =	sshll.u32 s6, $0xA;
	v0 =	vsel vm11, $0xD80, v0;
	v1 =	vsel vm11, $0x4D80, v1;
	v2 =	vsel vm11, $0x8D80, v2;
	s13 =	simm.s32 $0xE800;
	[smem:$0x7F4] =	sst s12  }
0x3b: {  	s21 =	sshrl.u32 s7, $0x1;
	v3 =	vsel vm11, $0xCD80, v3;
	s14 =	simm.s32 $0xEC00;
	v0 =	vsel vm10, $0x1200, v0;
	v1 =	vsel vm10, $0x5200, v1;
	[smem:$0x7F5] =	sst s13  }
0x3c: {  	s25 =	sshll.u32 s5, $0x8;
	s15 =	simm.s32 $0xF000;
	v2 =	vsel vm10, $0x9200, v2;
	v3 =	vsel vm10, $0xD200, v3;
	[smem:$0x7F6] =	sst s14;
	v0 =	vsel vm9, $0x1680, v0  }
0x3d: {  	s5 =	smul.u32 $0x1F4000, s5;
	s16 =	simm.s32 $0xF400;
	[smem:$0x7F7] =	sst s15;
	v1 =	vsel vm9, $0x5680, v1;
	v2 =	vsel vm9, $0x9680, v2;
	v3 =	vsel vm9, $0xD680, v3  }
0x3e: {  	s31 =	simm.s32 $0xFC00;
	s8 =	sadd.s32 $0x800, s8;
	[smem:$0x7F8] =	sst s16;
	v0 =	vsel vm8, $0x1B00, v0;
	v1 =	vsel vm8, $0x5B00, v1;
	v2 =	vsel vm8, $0x9B00, v2  }
0x3f: {  	s18 =	simm.s32 $0x5C00;
	s9 =	simm.s32 $0x9000;
	[smem:$0x7FA] =	sst s31;
	v3 =	vsel vm8, $0xDB00, v3;
	v0 =	vsel vm7, $0x1F80, v0;
	v1 =	vsel vm7, $0x5F80, v1  }
0x40: {  	s17 =	ssub.s32 s7, s21;
	s6 =	ssub.s32 s25, s6;
	[dreg:$0x4] =	wrdreg s8;
	v2 =	vsel vm7, $0x9F80, v2;
	v3 =	vsel vm7, $0xDF80, v3;
	v0 =	vsel vm6, $0x2000, v0  }
0x41: {  	s19 =	simm.s32 $0x10000;
	s20 =	simm.s32 $0x10400;
	[dreg:$0x1a] =	wrdreg s18;
	v1 =	vsel vm6, $0x6000, v1;
	v2 =	vsel vm6, $0xA000, v2;
	v3 =	vsel vm6, $0xE000, v3  }
0x42: {  	s21 =	simm.s32 $0x10800;
	[smem:$0x7DF] =	sst s9;
	s18 =	simm.s32 $0xB400;
	v0 =	vsel vm5, $0x2480, v0;
	v1 =	vsel vm5, $0x6480, v1;
	v2 =	vsel vm5, $0xA480, v2  }
0x43: {  	s7 =	sadd.s32 $0x3E800, s5;
	s9 =	sadd.s32 $0x7D000, s5;
	s10 =	sadd.s32 $0xBB800, s5;
	v3 =	vsel vm5, $0xE480, v3;
	v0 =	vsel vm4, $0x2900, v0;
	v1 =	vsel vm4, $0x6900, v1  }
0x44: {  	s8 =	sor.u32 $0x10, s6;
	s12 =	sadd.s32 $0xFA000, s5;
	s13 =	sadd.s32 $0x138800, s5;
	v2 =	vsel vm4, $0xA900, v2;
	v3 =	vsel vm4, $0xE900, v3;
	v0 =	vsel vm3, $0x2D80, v0  }
0x45: {  	s14 =	sor.u32 $0x90, s6;
	s15 =	sadd.s32 $0x177000, s5;
	[smem:$0x7FB] =	sst s19;
	v1 =	vsel vm3, $0x6D80, v1;
	v2 =	vsel vm3, $0xAD80, v2;
	v3 =	vsel vm3, $0xED80, v3  }
0x46: {  	s11 =	sor.u32 $0x80, s6;
	s16 =	sadd.s32 $0x1B5800, s5;
	[smem:$0x7FC] =	sst s20;
	v0 =	vsel vm0, $0x3200, v0;
	v1 =	vsel vm0, $0x7200, v1;
	v2 =	vsel vm0, $0xB200, v2  }
0x47: {  	s17 =	smax.u32 s17, $0x1;
	s19 =	simm.s32 $0x800;
	[smem:$0x7FD] =	sst s21;
	v3 =	vsel vm0, $0xF200, v3;
	v0 =	vsel vm1, $0x3680, v0;
	v1 =	vsel vm1, $0x7680, v1  }
0x48: {  	s20 =	simm.s32 $0x2;
	[smem:$0x7E8] =	sst s18;
	s18 =	simm.s32 $0xF800;
	v2 =	vsel vm1, $0xB680, v2;
	v3 =	vsel vm1, $0xF680, v3;
	v0 =	vsel vm2, $0x3B00, v0  }
0x49: {  	s21 =	simm.s32 $0x3;
	[smem:$0x7F9] =	sst s18;
	s18 =	simm.s32 $0x1;
	v1 =	vsel vm2, $0x7B00, v1;
	v2 =	vsel vm2, $0xBB00, v2;
	v3 =	vsel vm2, $0xFB00, v3  }
.LBB2_1:
0x4a: {  	s22 =	rddreg [dreg:$0x3]  }
0x4b: {  	[tilespmem:s3], [sflag:$0x1] =	stream.linear.gather [hbm4b:s4+s3], $0x400, $0x38;
	[tilespmem:$0x10880] =	vst v63  }
0x4c: {  	s23 =	rddreg [dreg:$0x5]  }
0x4d: {  	[tilespmem:s23], [sflag:$0x2] =	stream.linear.gather [hbm4b:s22+s3], $0x400, $0x38;
	[tilespmem:$0x10880] =	vst v63  }
0x4e: {  	_ =	swait.ge [sflag:s18], $0x400  }
0x4f: {  	[sflag:s18] =	ssyncset.done $0x0  }
0x50: {  	[sflag:s18] =	ssyncadd.s32 $0xFFFFFC00  }
0x51: {  	v4 =	vld [tilespmem:s6+$0x0];
	_ =	sdelay $0x4  }
0x52: {  	v4 =	vshll.u32 v4, $0x3  }
0x53: {  	(v2sf) =	vpush v4, $0x0;
	_ =	sdelay $0x3  }
0x54: {  	(v2sf) =	vpush v4, $0x1;
	_ =	sdelay $0x4  }
0x55: {  	(v2sf) =	vpush v4, $0x2;
	_ =	sdelay $0x5  }
0x56: {  	s31 =	spop (v2sf)  }
0x57: {  	(v2sf) =	vpush v4, $0x3;
	s22 =	sand.u32 $0x7FFFFC00, s31  }
0x58: {  	s22 =	sadd.s32 s5, s22  }
0x59: {  	s22 =	sshrl.u32 s22, $0x3  }
0x5a: {  	s23 =	spop (v2sf);
	s22 =	sadd.s32 s2, s22  }
0x5b: {  	(v2sf) =	vpush v4, $0x4;
	[tilespmem:s19], [sflag:$0x1] =	stream.linear.gather [hbm4b:s22+s3], $0x400, $0x38;
	[tilespmem:$0x10880] =	vst v63  }
0x5c: {  	s22 =	sand.u32 $0x7FFFFC00, s23  }
0x5d: {  	s22 =	sadd.s32 s5, s22  }
0x5e: {  	s22 =	sshrl.u32 s22, $0x3  }
0x5f: {  	s24 =	rddreg [dreg:$0x6];
	s25 =	spop (v2sf);
	s22 =	sadd.s32 s2, s22  }
0x60: {  	(v2sf) =	vpush v4, $0x5;
	[tilespmem:s24], [sflag:$0x1] =	stream.linear.gather [hbm4b:s22+s3], $0x400, $0x38;
	[tilespmem:$0x10880] =	vst v63  }
0x61: {  	s22 =	sand.u32 $0x7FFFFC00, s25  }
0x62: {  	s22 =	sadd.s32 s5, s22  }
0x63: {  	s22 =	sshrl.u32 s22, $0x3  }
0x64: {  	s26 =	rddreg [dreg:$0x7];
	s22 =	sadd.s32 s2, s22  }
0x65: {  	[tilespmem:s26], [sflag:$0x1] =	stream.linear.gather [hbm4b:s22+s3], $0x400, $0x38;
	[tilespmem:$0x10880] =	vst v63  }
0x66: {  	s28 =	spop (v2sf)  }
0x67: {  	(v2sf) =	vpush v4, $0x6;
	s22 =	sand.u32 $0x7FFFFC00, s28  }
0x68: {  	s22 =	sadd.s32 s5, s22  }
0x69: {  	s22 =	sshrl.u32 s22, $0x3  }
0x6a: {  	s29 =	rddreg [dreg:$0x8];
	s30 =	spop (v2sf);
	s22 =	sadd.s32 s2, s22  }
0x6b: {  	(v2sf) =	vpush v4, $0x7;
	[tilespmem:s29], [sflag:$0x1] =	stream.linear.gather [hbm4b:s22+s3], $0x400, $0x38;
	[tilespmem:$0x10880] =	vst v63  }
0x6c: {  	s22 =	sand.u32 $0x7FFFFC00, s30  }
0x6d: {  	s22 =	sadd.s32 s5, s22  }
0x6e: {  	s22 =	sshrl.u32 s22, $0x3  }
0x6f: {  	s31 =	rddreg [dreg:$0x9];
	s23 =	spop (v2sf);
	s22 =	sadd.s32 s2, s22  }
0x70: {  	(v2sf) =	vpush v4, $0x8;
	[tilespmem:s31], [sflag:$0x1] =	stream.linear.gather [hbm4b:s22+s3], $0x400, $0x38;
	[tilespmem:$0x10880] =	vst v63  }
0x71: {  	s22 =	sand.u32 $0x7FFFFC00, s23  }
0x72: {  	s22 =	sadd.s32 s5, s22  }
0x73: {  	s22 =	sshrl.u32 s22, $0x3  }
0x74: {  	s24 =	rddreg [dreg:$0xa];
	s22 =	sadd.s32 s2, s22  }
0x75: {  	[tilespmem:s24], [sflag:$0x1] =	stream.linear.gather [hbm4b:s22+s3], $0x400, $0x38;
	[tilespmem:$0x10880] =	vst v63  }
0x76: {  	s25 =	spop (v2sf)  }
0x77: {  	(v2sf) =	vpush v4, $0x9;
	s22 =	sand.u32 $0x7FFFFC00, s25  }
0x78: {  	s22 =	sadd.s32 s5, s22  }
0x79: {  	s22 =	sshrl.u32 s22, $0x3  }
0x7a: {  	s26 =	rddreg [dreg:$0xb];
	s28 =	spop (v2sf);
	s22 =	sadd.s32 s2, s22  }
0x7b: {  	(v2sf) =	vpush v4, $0xA;
	[tilespmem:s26], [sflag:$0x1] =	stream.linear.gather [hbm4b:s22+s3], $0x400, $0x38;
	[tilespmem:$0x10880] =	vst v63  }
0x7c: {  	s22 =	sand.u32 $0x7FFFFC00, s28  }
0x7d: {  	s22 =	sadd.s32 s5, s22  }
0x7e: {  	s22 =	sshrl.u32 s22, $0x3  }
0x7f: {  	s29 =	rddreg [dreg:$0xc];
	s30 =	spop (v2sf);
	s22 =	sadd.s32 s2, s22  }
0x80: {  	(v2sf) =	vpush v4, $0xB;
	[tilespmem:s29], [sflag:$0x1] =	stream.linear.gather [hbm4b:s22+s3], $0x400, $0x38;
	[tilespmem:$0x10880] =	vst v63  }
0x81: {  	s22 =	sand.u32 $0x7FFFFC00, s30  }
0x82: {  	s22 =	sadd.s32 s7, s22  }
0x83: {  	s22 =	sshrl.u32 s22, $0x3  }
0x84: {  	s31 =	rddreg [dreg:$0xd];
	s22 =	sadd.s32 s2, s22  }
0x85: {  	[tilespmem:s31], [sflag:$0x1] =	stream.linear.gather [hbm4b:s22+s3], $0x400, $0x38;
	[tilespmem:$0x10880] =	vst v63  }
0x86: {  	s23 =	spop (v2sf)  }
0x87: {  	(v2sf) =	vpush v4, $0xC;
	s22 =	sand.u32 $0x7FFFFC00, s23  }
0x88: {  	s22 =	sadd.s32 s7, s22  }
0x89: {  	s22 =	sshrl.u32 s22, $0x3  }
0x8a: {  	s24 =	rddreg [dreg:$0xe];
	s25 =	spop (v2sf);
	s22 =	sadd.s32 s2, s22  }
0x8b: {  	(v2sf) =	vpush v4, $0xD;
	[tilespmem:s24], [sflag:$0x1] =	stream.linear.gather [hbm4b:s22+s3], $0x400, $0x38;
	[tilespmem:$0x10880] =	vst v63  }
0x8c: {  	s22 =	sand.u32 $0x7FFFFC00, s25  }
0x8d: {  	s22 =	sadd.s32 s7, s22  }
0x8e: {  	s22 =	sshrl.u32 s22, $0x3  }
0x8f: {  	s26 =	rddreg [dreg:$0xf];
	s28 =	spop (v2sf);
	s22 =	sadd.s32 s2, s22  }
0x90: {  	(v2sf) =	vpush v4, $0xE;
	[tilespmem:s26], [sflag:$0x1] =	stream.linear.gather [hbm4b:s22+s3], $0x400, $0x38;
	[tilespmem:$0x10880] =	vst v63  }
0x91: {  	s22 =	sand.u32 $0x7FFFFC00, s28  }
0x92: {  	s22 =	sadd.s32 s7, s22  }
0x93: {  	s22 =	sshrl.u32 s22, $0x3  }
0x94: {  	s29 =	rddreg [dreg:$0x10];
	s22 =	sadd.s32 s2, s22  }
0x95: {  	[tilespmem:s29], [sflag:$0x1] =	stream.linear.gather [hbm4b:s22+s3], $0x400, $0x38;
	[tilespmem:$0x10880] =	vst v63  }
0x96: {  	s30 =	spop (v2sf)  }
0x97: {  	(v2sf) =	vpush v4, $0xF;
	s22 =	sand.u32 $0x7FFFFC00, s30  }
0x98: {  	s22 =	sadd.s32 s7, s22  }
0x99: {  	s22 =	sshrl.u32 s22, $0x3  }
0x9a: {  	s31 =	rddreg [dreg:$0x11];
	s23 =	spop (v2sf);
	s22 =	sadd.s32 s2, s22  }
0x9b: {  	[tilespmem:s31], [sflag:$0x1] =	stream.linear.gather [hbm4b:s22+s3], $0x400, $0x38;
	[tilespmem:$0x10880] =	vst v63  }
0x9c: {  	s22 =	sand.u32 $0x7FFFFC00, s23  }
0x9d: {  	s22 =	sadd.s32 s7, s22  }
0x9e: {  	s22 =	sshrl.u32 s22, $0x3  }
0x9f: {  	s24 =	rddreg [dreg:$0x12];
	s25 =	spop (v2sf);
	s22 =	sadd.s32 s2, s22  }
0xa0: {  	[tilespmem:s24], [sflag:$0x1] =	stream.linear.gather [hbm4b:s22+s3], $0x400, $0x38;
	[tilespmem:$0x10880] =	vst v63  }
0xa1: {  	s22 =	sand.u32 $0x7FFFFC00, s25  }
0xa2: {  	s22 =	sadd.s32 s7, s22  }
0xa3: {  	s22 =	sshrl.u32 s22, $0x3  }
0xa4: {  	s26 =	rddreg [dreg:$0x13];
	s22 =	sadd.s32 s2, s22  }
0xa5: {  	[tilespmem:s26], [sflag:$0x1] =	stream.linear.gather [hbm4b:s22+s3], $0x400, $0x38;
	[tilespmem:$0x10880] =	vst v63  }
0xa6: {  	s28 =	spop (v2sf)  }
0xa7: {  	s22 =	sand.u32 $0x7FFFFC00, s28  }
0xa8: {  	s22 =	sadd.s32 s7, s22  }
0xa9: {  	s22 =	sshrl.u32 s22, $0x3  }
0xaa: {  	s29 =	rddreg [dreg:$0x14];
	s22 =	sadd.s32 s2, s22  }
0xab: {  	[tilespmem:s29], [sflag:$0x1] =	stream.linear.gather [hbm4b:s22+s3], $0x400, $0x38;
	[tilespmem:$0x10880] =	vst v63  }
0xac: {  	v4 =	vld [tilespmem:s8+$0x0];
	_ =	sdelay $0x4  }
0xad: {  	v4 =	vshll.u32 v4, $0x3  }
0xae: {  	(v2sf) =	vpush v4, $0x0;
	_ =	sdelay $0x3  }
0xaf: {  	(v2sf) =	vpush v4, $0x1;
	_ =	sdelay $0x4  }
0xb0: {  	(v2sf) =	vpush v4, $0x2;
	_ =	sdelay $0x5  }
0xb1: {  	s30 =	spop (v2sf)  }
0xb2: {  	(v2sf) =	vpush v4, $0x3;
	s22 =	sand.u32 $0x7FFFFC00, s30  }
0xb3: {  	s22 =	sadd.s32 s9, s22  }
0xb4: {  	s22 =	sshrl.u32 s22, $0x3  }
0xb5: {  	s31 =	rddreg [dreg:$0x15];
	s23 =	spop (v2sf);
	s22 =	sadd.s32 s2, s22  }
0xb6: {  	(v2sf) =	vpush v4, $0x4;
	[tilespmem:s31], [sflag:$0x1] =	stream.linear.gather [hbm4b:s22+s3], $0x400, $0x38;
	[tilespmem:$0x10880] =	vst v63  }
0xb7: {  	s22 =	sand.u32 $0x7FFFFC00, s23  }
0xb8: {  	s22 =	sadd.s32 s9, s22  }
0xb9: {  	s22 =	sshrl.u32 s22, $0x3  }
0xba: {  	s24 =	rddreg [dreg:$0x16];
	s25 =	spop (v2sf);
	s22 =	sadd.s32 s2, s22  }
0xbb: {  	(v2sf) =	vpush v4, $0x5;
	[tilespmem:s24], [sflag:$0x1] =	stream.linear.gather [hbm4b:s22+s3], $0x400, $0x38;
	[tilespmem:$0x10880] =	vst v63  }
0xbc: {  	s22 =	sand.u32 $0x7FFFFC00, s25  }
0xbd: {  	s22 =	sadd.s32 s9, s22  }
0xbe: {  	s22 =	sshrl.u32 s22, $0x3  }
0xbf: {  	s26 =	rddreg [dreg:$0x17];
	s22 =	sadd.s32 s2, s22  }
0xc0: {  	[tilespmem:s26], [sflag:$0x1] =	stream.linear.gather [hbm4b:s22+s3], $0x400, $0x38;
	[tilespmem:$0x10880] =	vst v63  }
0xc1: {  	s28 =	spop (v2sf)  }
0xc2: {  	(v2sf) =	vpush v4, $0x6;
	s22 =	sand.u32 $0x7FFFFC00, s28  }
0xc3: {  	s22 =	sadd.s32 s9, s22  }
0xc4: {  	s22 =	sshrl.u32 s22, $0x3  }
0xc5: {  	s29 =	rddreg [dreg:$0x18];
	s30 =	spop (v2sf);
	s22 =	sadd.s32 s2, s22  }
0xc6: {  	(v2sf) =	vpush v4, $0x7;
	[tilespmem:s29], [sflag:$0x1] =	stream.linear.gather [hbm4b:s22+s3], $0x400, $0x38;
	[tilespmem:$0x10880] =	vst v63  }
0xc7: {  	s22 =	sand.u32 $0x7FFFFC00, s30  }
0xc8: {  	s22 =	sadd.s32 s9, s22  }
0xc9: {  	s22 =	sshrl.u32 s22, $0x3  }
0xca: {  	s31 =	rddreg [dreg:$0x19];
	s23 =	spop (v2sf);
	s22 =	sadd.s32 s2, s22  }
0xcb: {  	(v2sf) =	vpush v4, $0x8;
	[tilespmem:s31], [sflag:$0x1] =	stream.linear.gather [hbm4b:s22+s3], $0x400, $0x38;
	[tilespmem:$0x10880] =	vst v63  }
0xcc: {  	s22 =	sand.u32 $0x7FFFFC00, s23  }
0xcd: {  	s22 =	sadd.s32 s9, s22  }
0xce: {  	s22 =	sshrl.u32 s22, $0x3  }
0xcf: {  	s24 =	rddreg [dreg:$0x1a];
	s22 =	sadd.s32 s2, s22  }
0xd0: {  	[tilespmem:s24], [sflag:$0x1] =	stream.linear.gather [hbm4b:s22+s3], $0x400, $0x38;
	[tilespmem:$0x10880] =	vst v63  }
0xd1: {  	s25 =	spop (v2sf)  }
0xd2: {  	(v2sf) =	vpush v4, $0x9;
	s22 =	sand.u32 $0x7FFFFC00, s25  }
0xd3: {  	s22 =	sadd.s32 s9, s22  }
0xd4: {  	s22 =	sshrl.u32 s22, $0x3  }
0xd5: {  	s26 =	rddreg [dreg:$0x1b];
	s28 =	spop (v2sf);
	s22 =	sadd.s32 s2, s22  }
0xd6: {  	(v2sf) =	vpush v4, $0xA;
	[tilespmem:s26], [sflag:$0x1] =	stream.linear.gather [hbm4b:s22+s3], $0x400, $0x38;
	[tilespmem:$0x10880] =	vst v63  }
0xd7: {  	s22 =	sand.u32 $0x7FFFFC00, s28  }
0xd8: {  	s22 =	sadd.s32 s9, s22  }
0xd9: {  	s22 =	sshrl.u32 s22, $0x3  }
0xda: {  	s29 =	rddreg [dreg:$0x1c];
	s30 =	spop (v2sf);
	s22 =	sadd.s32 s2, s22  }
0xdb: {  	(v2sf) =	vpush v4, $0xB;
	[tilespmem:s29], [sflag:$0x1] =	stream.linear.gather [hbm4b:s22+s3], $0x400, $0x38;
	[tilespmem:$0x10880] =	vst v63  }
0xdc: {  	s22 =	sand.u32 $0x7FFFFC00, s30  }
0xdd: {  	s22 =	sadd.s32 s10, s22  }
0xde: {  	s22 =	sshrl.u32 s22, $0x3  }
0xdf: {  	s31 =	rddreg [dreg:$0x1d];
	s22 =	sadd.s32 s2, s22  }
0xe0: {  	[tilespmem:s31], [sflag:$0x1] =	stream.linear.gather [hbm4b:s22+s3], $0x400, $0x38;
	[tilespmem:$0x10880] =	vst v63  }
0xe1: {  	s23 =	spop (v2sf)  }
0xe2: {  	(v2sf) =	vpush v4, $0xC;
	s22 =	sand.u32 $0x7FFFFC00, s23  }
0xe3: {  	s22 =	sadd.s32 s10, s22  }
0xe4: {  	s22 =	sshrl.u32 s22, $0x3  }
0xe5: {  	s24 =	rddreg [dreg:$0x1e];
	s25 =	spop (v2sf);
	s22 =	sadd.s32 s2, s22  }
0xe6: {  	(v2sf) =	vpush v4, $0xD;
	[tilespmem:s24], [sflag:$0x1] =	stream.linear.gather [hbm4b:s22+s3], $0x400, $0x38;
	[tilespmem:$0x10880] =	vst v63  }
0xe7: {  	s22 =	sand.u32 $0x7FFFFC00, s25  }
0xe8: {  	s22 =	sadd.s32 s10, s22  }
0xe9: {  	s22 =	sshrl.u32 s22, $0x3  }
0xea: {  	s26 =	rddreg [dreg:$0x1f];
	s28 =	spop (v2sf);
	s22 =	sadd.s32 s2, s22  }
0xeb: {  	(v2sf) =	vpush v4, $0xE;
	[tilespmem:s26], [sflag:$0x1] =	stream.linear.gather [hbm4b:s22+s3], $0x400, $0x38;
	[tilespmem:$0x10880] =	vst v63  }
0xec: {  	s22 =	sand.u32 $0x7FFFFC00, s28  }
0xed: {  	s29 =	sld [smem:$0x7D8];
	s22 =	sadd.s32 s10, s22  }
0xee: {  	s22 =	sshrl.u32 s22, $0x3  }
0xef: {  	s22 =	sadd.s32 s2, s22  }
0xf0: {  	[tilespmem:s29], [sflag:$0x1] =	stream.linear.gather [hbm4b:s22+s3], $0x400, $0x38;
	[tilespmem:$0x10880] =	vst v63  }
0xf1: {  	s30 =	spop (v2sf)  }
0xf2: {  	(v2sf) =	vpush v4, $0xF;
	s22 =	sand.u32 $0x7FFFFC00, s30  }
0xf3: {  	s31 =	sld [smem:$0x7D9];
	s22 =	sadd.s32 s10, s22  }
0xf4: {  	s22 =	sshrl.u32 s22, $0x3  }
0xf5: {  	s23 =	spop (v2sf);
	s22 =	sadd.s32 s2, s22  }
0xf6: {  	[tilespmem:s31], [sflag:$0x1] =	stream.linear.gather [hbm4b:s22+s3], $0x400, $0x38;
	[tilespmem:$0x10880] =	vst v63  }
0xf7: {  	s22 =	sand.u32 $0x7FFFFC00, s23  }
0xf8: {  	s24 =	sld [smem:$0x7DA];
	s22 =	sadd.s32 s10, s22  }
0xf9: {  	s22 =	sshrl.u32 s22, $0x3  }
0xfa: {  	s25 =	spop (v2sf);
	s22 =	sadd.s32 s2, s22  }
0xfb: {  	[tilespmem:s24], [sflag:$0x1] =	stream.linear.gather [hbm4b:s22+s3], $0x400, $0x38;
	[tilespmem:$0x10880] =	vst v63  }
0xfc: {  	s22 =	sand.u32 $0x7FFFFC00, s25  }
0xfd: {  	s26 =	sld [smem:$0x7DB];
	s22 =	sadd.s32 s10, s22  }
0xfe: {  	s22 =	sshrl.u32 s22, $0x3  }
0xff: {  	s22 =	sadd.s32 s2, s22  }
0x100: {  	[tilespmem:s26], [sflag:$0x1] =	stream.linear.gather [hbm4b:s22+s3], $0x400, $0x38;
	[tilespmem:$0x10880] =	vst v63  }
0x101: {  	s28 =	spop (v2sf)  }
0x102: {  	s22 =	sand.u32 $0x7FFFFC00, s28  }
0x103: {  	s29 =	sld [smem:$0x7DC];
	s22 =	sadd.s32 s10, s22  }
0x104: {  	s22 =	sshrl.u32 s22, $0x3  }
0x105: {  	s22 =	sadd.s32 s2, s22  }
0x106: {  	[tilespmem:s29], [sflag:$0x1] =	stream.linear.gather [hbm4b:s22+s3], $0x400, $0x38;
	[tilespmem:$0x10880] =	vst v63  }
0x107: {  	v4 =	vld [tilespmem:s11+$0x0];
	_ =	sdelay $0x4  }
0x108: {  	v4 =	vshll.u32 v4, $0x3  }
0x109: {  	(v2sf) =	vpush v4, $0x0;
	_ =	sdelay $0x3  }
0x10a: {  	(v2sf) =	vpush v4, $0x1;
	_ =	sdelay $0x4  }
0x10b: {  	(v2sf) =	vpush v4, $0x2;
	_ =	sdelay $0x5  }
0x10c: {  	s30 =	spop (v2sf)  }
0x10d: {  	(v2sf) =	vpush v4, $0x3;
	s22 =	sand.u32 $0x7FFFFC00, s30  }
0x10e: {  	s31 =	sld [smem:$0x7DD];
	s22 =	sadd.s32 s12, s22  }
0x10f: {  	s22 =	sshrl.u32 s22, $0x3  }
0x110: {  	s23 =	spop (v2sf);
	s22 =	sadd.s32 s2, s22  }
0x111: {  	(v2sf) =	vpush v4, $0x4;
	[tilespmem:s31], [sflag:$0x1] =	stream.linear.gather [hbm4b:s22+s3], $0x400, $0x38;
	[tilespmem:$0x10880] =	vst v63  }
0x112: {  	s22 =	sand.u32 $0x7FFFFC00, s23  }
0x113: {  	s24 =	sld [smem:$0x7DE];
	s22 =	sadd.s32 s12, s22  }
0x114: {  	s22 =	sshrl.u32 s22, $0x3  }
0x115: {  	s25 =	spop (v2sf);
	s22 =	sadd.s32 s2, s22  }
0x116: {  	(v2sf) =	vpush v4, $0x5;
	[tilespmem:s24], [sflag:$0x1] =	stream.linear.gather [hbm4b:s22+s3], $0x400, $0x38;
	[tilespmem:$0x10880] =	vst v63  }
0x117: {  	s22 =	sand.u32 $0x7FFFFC00, s25  }
0x118: {  	s26 =	sld [smem:$0x7DF];
	s22 =	sadd.s32 s12, s22  }
0x119: {  	s22 =	sshrl.u32 s22, $0x3  }
0x11a: {  	s22 =	sadd.s32 s2, s22  }
0x11b: {  	[tilespmem:s26], [sflag:$0x1] =	stream.linear.gather [hbm4b:s22+s3], $0x400, $0x38;
	[tilespmem:$0x10880] =	vst v63  }
0x11c: {  	s28 =	spop (v2sf)  }
0x11d: {  	(v2sf) =	vpush v4, $0x6;
	s22 =	sand.u32 $0x7FFFFC00, s28  }
0x11e: {  	s29 =	sld [smem:$0x7E0];
	s22 =	sadd.s32 s12, s22  }
0x11f: {  	s22 =	sshrl.u32 s22, $0x3  }
0x120: {  	s30 =	spop (v2sf);
	s22 =	sadd.s32 s2, s22  }
0x121: {  	(v2sf) =	vpush v4, $0x7;
	[tilespmem:s29], [sflag:$0x1] =	stream.linear.gather [hbm4b:s22+s3], $0x400, $0x38;
	[tilespmem:$0x10880] =	vst v63  }
0x122: {  	s22 =	sand.u32 $0x7FFFFC00, s30  }
0x123: {  	s31 =	sld [smem:$0x7E1];
	s22 =	sadd.s32 s12, s22  }
0x124: {  	s22 =	sshrl.u32 s22, $0x3  }
0x125: {  	s23 =	spop (v2sf);
	s22 =	sadd.s32 s2, s22  }
0x126: {  	(v2sf) =	vpush v4, $0x8;
	[tilespmem:s31], [sflag:$0x1] =	stream.linear.gather [hbm4b:s22+s3], $0x400, $0x38;
	[tilespmem:$0x10880] =	vst v63  }
0x127: {  	s22 =	sand.u32 $0x7FFFFC00, s23  }
0x128: {  	s24 =	sld [smem:$0x7E2];
	s22 =	sadd.s32 s12, s22  }
0x129: {  	s22 =	sshrl.u32 s22, $0x3  }
0x12a: {  	s22 =	sadd.s32 s2, s22  }
0x12b: {  	[tilespmem:s24], [sflag:$0x1] =	stream.linear.gather [hbm4b:s22+s3], $0x400, $0x38;
	[tilespmem:$0x10880] =	vst v63  }
0x12c: {  	s25 =	spop (v2sf)  }
0x12d: {  	(v2sf) =	vpush v4, $0x9;
	s22 =	sand.u32 $0x7FFFFC00, s25  }
0x12e: {  	s26 =	sld [smem:$0x7E3];
	s22 =	sadd.s32 s12, s22  }
0x12f: {  	s22 =	sshrl.u32 s22, $0x3  }
0x130: {  	s28 =	spop (v2sf);
	s22 =	sadd.s32 s2, s22  }
0x131: {  	(v2sf) =	vpush v4, $0xA;
	[tilespmem:s26], [sflag:$0x1] =	stream.linear.gather [hbm4b:s22+s3], $0x400, $0x38;
	[tilespmem:$0x10880] =	vst v63  }
0x132: {  	s22 =	sand.u32 $0x7FFFFC00, s28  }
0x133: {  	s29 =	sld [smem:$0x7E4];
	s22 =	sadd.s32 s12, s22  }
0x134: {  	s22 =	sshrl.u32 s22, $0x3  }
0x135: {  	s30 =	spop (v2sf);
	s22 =	sadd.s32 s2, s22  }
0x136: {  	(v2sf) =	vpush v4, $0xB;
	[tilespmem:s29], [sflag:$0x1] =	stream.linear.gather [hbm4b:s22+s3], $0x400, $0x38;
	[tilespmem:$0x10880] =	vst v63  }
0x137: {  	s22 =	sand.u32 $0x7FFFFC00, s30  }
0x138: {  	s31 =	sld [smem:$0x7E5];
	s22 =	sadd.s32 s13, s22  }
0x139: {  	s22 =	sshrl.u32 s22, $0x3  }
0x13a: {  	s22 =	sadd.s32 s2, s22  }
0x13b: {  	[tilespmem:s31], [sflag:$0x1] =	stream.linear.gather [hbm4b:s22+s3], $0x400, $0x38;
	[tilespmem:$0x10880] =	vst v63  }
0x13c: {  	s23 =	spop (v2sf)  }
0x13d: {  	(v2sf) =	vpush v4, $0xC;
	s22 =	sand.u32 $0x7FFFFC00, s23  }
0x13e: {  	s24 =	sld [smem:$0x7E6];
	s22 =	sadd.s32 s13, s22  }
0x13f: {  	s22 =	sshrl.u32 s22, $0x3  }
0x140: {  	s25 =	spop (v2sf);
	s22 =	sadd.s32 s2, s22  }
0x141: {  	(v2sf) =	vpush v4, $0xD;
	[tilespmem:s24], [sflag:$0x1] =	stream.linear.gather [hbm4b:s22+s3], $0x400, $0x38;
	[tilespmem:$0x10880] =	vst v63  }
0x142: {  	s22 =	sand.u32 $0x7FFFFC00, s25  }
0x143: {  	s26 =	sld [smem:$0x7E7];
	s22 =	sadd.s32 s13, s22  }
0x144: {  	s22 =	sshrl.u32 s22, $0x3  }
0x145: {  	s28 =	spop (v2sf);
	s22 =	sadd.s32 s2, s22  }
0x146: {  	(v2sf) =	vpush v4, $0xE;
	[tilespmem:s26], [sflag:$0x1] =	stream.linear.gather [hbm4b:s22+s3], $0x400, $0x38;
	[tilespmem:$0x10880] =	vst v63  }
0x147: {  	s22 =	sand.u32 $0x7FFFFC00, s28  }
0x148: {  	s29 =	sld [smem:$0x7E8];
	s22 =	sadd.s32 s13, s22  }
0x149: {  	s22 =	sshrl.u32 s22, $0x3  }
0x14a: {  	s22 =	sadd.s32 s2, s22  }
0x14b: {  	[tilespmem:s29], [sflag:$0x1] =	stream.linear.gather [hbm4b:s22+s3], $0x400, $0x38;
	[tilespmem:$0x10880] =	vst v63  }
0x14c: {  	s30 =	spop (v2sf)  }
0x14d: {  	(v2sf) =	vpush v4, $0xF;
	s22 =	sand.u32 $0x7FFFFC00, s30  }
0x14e: {  	s31 =	sld [smem:$0x7E9];
	s22 =	sadd.s32 s13, s22  }
0x14f: {  	s22 =	sshrl.u32 s22, $0x3  }
0x150: {  	s23 =	spop (v2sf);
	s22 =	sadd.s32 s2, s22  }
0x151: {  	[tilespmem:s31], [sflag:$0x1] =	stream.linear.gather [hbm4b:s22+s3], $0x400, $0x38;
	[tilespmem:$0x10880] =	vst v63  }
0x152: {  	s22 =	sand.u32 $0x7FFFFC00, s23  }
0x153: {  	s24 =	sld [smem:$0x7EA];
	s22 =	sadd.s32 s13, s22  }
0x154: {  	s22 =	sshrl.u32 s22, $0x3  }
0x155: {  	s25 =	spop (v2sf);
	s22 =	sadd.s32 s2, s22  }
0x156: {  	[tilespmem:s24], [sflag:$0x1] =	stream.linear.gather [hbm4b:s22+s3], $0x400, $0x38;
	[tilespmem:$0x10880] =	vst v63  }
0x157: {  	s22 =	sand.u32 $0x7FFFFC00, s25  }
0x158: {  	s26 =	sld [smem:$0x7EB];
	s22 =	sadd.s32 s13, s22  }
0x159: {  	s22 =	sshrl.u32 s22, $0x3  }
0x15a: {  	s22 =	sadd.s32 s2, s22  }
0x15b: {  	[tilespmem:s26], [sflag:$0x1] =	stream.linear.gather [hbm4b:s22+s3], $0x400, $0x38;
	[tilespmem:$0x10880] =	vst v63  }
0x15c: {  	s28 =	spop (v2sf)  }
0x15d: {  	s22 =	sand.u32 $0x7FFFFC00, s28  }
0x15e: {  	s29 =	sld [smem:$0x7EC];
	s22 =	sadd.s32 s13, s22  }
0x15f: {  	s22 =	sshrl.u32 s22, $0x3  }
0x160: {  	s22 =	sadd.s32 s2, s22  }
0x161: {  	[tilespmem:s29], [sflag:$0x1] =	stream.linear.gather [hbm4b:s22+s3], $0x400, $0x38;
	[tilespmem:$0x10880] =	vst v63  }
0x162: {  	v4 =	vld [tilespmem:s14+$0x0];
	_ =	sdelay $0x4  }
0x163: {  	v4 =	vshll.u32 v4, $0x3  }
0x164: {  	(v2sf) =	vpush v4, $0x0;
	_ =	sdelay $0x3  }
0x165: {  	(v2sf) =	vpush v4, $0x1;
	_ =	sdelay $0x4  }
0x166: {  	(v2sf) =	vpush v4, $0x2;
	_ =	sdelay $0x5  }
0x167: {  	s30 =	spop (v2sf)  }
0x168: {  	(v2sf) =	vpush v4, $0x3;
	s22 =	sand.u32 $0x7FFFFC00, s30  }
0x169: {  	s31 =	sld [smem:$0x7ED];
	s22 =	sadd.s32 s15, s22  }
0x16a: {  	s22 =	sshrl.u32 s22, $0x3  }
0x16b: {  	s23 =	spop (v2sf);
	s22 =	sadd.s32 s2, s22  }
0x16c: {  	(v2sf) =	vpush v4, $0x4;
	[tilespmem:s31], [sflag:$0x1] =	stream.linear.gather [hbm4b:s22+s3], $0x400, $0x38;
	[tilespmem:$0x10880] =	vst v63  }
0x16d: {  	s22 =	sand.u32 $0x7FFFFC00, s23  }
0x16e: {  	s24 =	sld [smem:$0x7EE];
	s22 =	sadd.s32 s15, s22  }
0x16f: {  	s22 =	sshrl.u32 s22, $0x3  }
0x170: {  	s25 =	spop (v2sf);
	s22 =	sadd.s32 s2, s22  }
0x171: {  	(v2sf) =	vpush v4, $0x5;
	[tilespmem:s24], [sflag:$0x1] =	stream.linear.gather [hbm4b:s22+s3], $0x400, $0x38;
	[tilespmem:$0x10880] =	vst v63  }
0x172: {  	s22 =	sand.u32 $0x7FFFFC00, s25  }
0x173: {  	s26 =	sld [smem:$0x7EF];
	s22 =	sadd.s32 s15, s22  }
0x174: {  	s22 =	sshrl.u32 s22, $0x3  }
0x175: {  	s22 =	sadd.s32 s2, s22  }
0x176: {  	[tilespmem:s26], [sflag:$0x1] =	stream.linear.gather [hbm4b:s22+s3], $0x400, $0x38;
	[tilespmem:$0x10880] =	vst v63  }
0x177: {  	s28 =	spop (v2sf)  }
0x178: {  	(v2sf) =	vpush v4, $0x6;
	s22 =	sand.u32 $0x7FFFFC00, s28  }
0x179: {  	s29 =	sld [smem:$0x7F0];
	s22 =	sadd.s32 s15, s22  }
0x17a: {  	s22 =	sshrl.u32 s22, $0x3  }
0x17b: {  	s30 =	spop (v2sf);
	s22 =	sadd.s32 s2, s22  }
0x17c: {  	(v2sf) =	vpush v4, $0x7;
	[tilespmem:s29], [sflag:$0x1] =	stream.linear.gather [hbm4b:s22+s3], $0x400, $0x38;
	[tilespmem:$0x10880] =	vst v63  }
0x17d: {  	s22 =	sand.u32 $0x7FFFFC00, s30  }
0x17e: {  	s31 =	sld [smem:$0x7F1];
	s22 =	sadd.s32 s15, s22  }
0x17f: {  	s22 =	sshrl.u32 s22, $0x3  }
0x180: {  	s23 =	spop (v2sf);
	s22 =	sadd.s32 s2, s22  }
0x181: {  	(v2sf) =	vpush v4, $0x8;
	[tilespmem:s31], [sflag:$0x1] =	stream.linear.gather [hbm4b:s22+s3], $0x400, $0x38;
	[tilespmem:$0x10880] =	vst v63  }
0x182: {  	s22 =	sand.u32 $0x7FFFFC00, s23  }
0x183: {  	s24 =	sld [smem:$0x7F2];
	s22 =	sadd.s32 s15, s22  }
0x184: {  	s22 =	sshrl.u32 s22, $0x3  }
0x185: {  	s22 =	sadd.s32 s2, s22  }
0x186: {  	[tilespmem:s24], [sflag:$0x1] =	stream.linear.gather [hbm4b:s22+s3], $0x400, $0x38;
	[tilespmem:$0x10880] =	vst v63  }
0x187: {  	s25 =	spop (v2sf)  }
0x188: {  	(v2sf) =	vpush v4, $0x9;
	s22 =	sand.u32 $0x7FFFFC00, s25  }
0x189: {  	s26 =	sld [smem:$0x7F3];
	s22 =	sadd.s32 s15, s22  }
0x18a: {  	s22 =	sshrl.u32 s22, $0x3  }
0x18b: {  	s28 =	spop (v2sf);
	s22 =	sadd.s32 s2, s22  }
0x18c: {  	(v2sf) =	vpush v4, $0xA;
	[tilespmem:s26], [sflag:$0x1] =	stream.linear.gather [hbm4b:s22+s3], $0x400, $0x38;
	[tilespmem:$0x10880] =	vst v63  }
0x18d: {  	s22 =	sand.u32 $0x7FFFFC00, s28  }
0x18e: {  	s29 =	sld [smem:$0x7F4];
	s22 =	sadd.s32 s15, s22  }
0x18f: {  	s22 =	sshrl.u32 s22, $0x3  }
0x190: {  	s30 =	spop (v2sf);
	s22 =	sadd.s32 s2, s22  }
0x191: {  	(v2sf) =	vpush v4, $0xB;
	[tilespmem:s29], [sflag:$0x1] =	stream.linear.gather [hbm4b:s22+s3], $0x400, $0x38;
	[tilespmem:$0x10880] =	vst v63  }
0x192: {  	s22 =	sand.u32 $0x7FFFFC00, s30  }
0x193: {  	s31 =	sld [smem:$0x7F5];
	s22 =	sadd.s32 s16, s22  }
0x194: {  	s22 =	sshrl.u32 s22, $0x3  }
0x195: {  	s22 =	sadd.s32 s2, s22  }
0x196: {  	[tilespmem:s31], [sflag:$0x1] =	stream.linear.gather [hbm4b:s22+s3], $0x400, $0x38;
	[tilespmem:$0x10880] =	vst v63  }
0x197: {  	s23 =	spop (v2sf)  }
0x198: {  	(v2sf) =	vpush v4, $0xC;
	s22 =	sand.u32 $0x7FFFFC00, s23  }
0x199: {  	s24 =	sld [smem:$0x7F6];
	s22 =	sadd.s32 s16, s22  }
0x19a: {  	s22 =	sshrl.u32 s22, $0x3  }
0x19b: {  	s25 =	spop (v2sf);
	s22 =	sadd.s32 s2, s22  }
0x19c: {  	(v2sf) =	vpush v4, $0xD;
	[tilespmem:s24], [sflag:$0x1] =	stream.linear.gather [hbm4b:s22+s3], $0x400, $0x38;
	[tilespmem:$0x10880] =	vst v63  }
0x19d: {  	s22 =	sand.u32 $0x7FFFFC00, s25  }
0x19e: {  	s26 =	sld [smem:$0x7F7];
	s22 =	sadd.s32 s16, s22  }
0x19f: {  	s22 =	sshrl.u32 s22, $0x3  }
0x1a0: {  	s28 =	spop (v2sf);
	s22 =	sadd.s32 s2, s22  }
0x1a1: {  	(v2sf) =	vpush v4, $0xE;
	[tilespmem:s26], [sflag:$0x1] =	stream.linear.gather [hbm4b:s22+s3], $0x400, $0x38;
	[tilespmem:$0x10880] =	vst v63  }
0x1a2: {  	s22 =	sand.u32 $0x7FFFFC00, s28  }
0x1a3: {  	s29 =	sld [smem:$0x7F8];
	s22 =	sadd.s32 s16, s22  }
0x1a4: {  	s22 =	sshrl.u32 s22, $0x3  }
0x1a5: {  	s22 =	sadd.s32 s2, s22  }
0x1a6: {  	[tilespmem:s29], [sflag:$0x1] =	stream.linear.gather [hbm4b:s22+s3], $0x400, $0x38;
	[tilespmem:$0x10880] =	vst v63  }
0x1a7: {  	s30 =	spop (v2sf)  }
0x1a8: {  	(v2sf) =	vpush v4, $0xF;
	s22 =	sand.u32 $0x7FFFFC00, s30  }
0x1a9: {  	s31 =	sld [smem:$0x7F9];
	s22 =	sadd.s32 s16, s22  }
0x1aa: {  	s22 =	sshrl.u32 s22, $0x3  }
0x1ab: {  	s23 =	spop (v2sf);
	s22 =	sadd.s32 s2, s22  }
0x1ac: {  	[tilespmem:s31], [sflag:$0x1] =	stream.linear.gather [hbm4b:s22+s3], $0x400, $0x38;
	[tilespmem:$0x10880] =	vst v63  }
0x1ad: {  	s22 =	sand.u32 $0x7FFFFC00, s23  }
0x1ae: {  	s24 =	sld [smem:$0x7FA];
	s22 =	sadd.s32 s16, s22  }
0x1af: {  	s22 =	sshrl.u32 s22, $0x3  }
0x1b0: {  	s25 =	spop (v2sf);
	s22 =	sadd.s32 s2, s22  }
0x1b1: {  	[tilespmem:s24], [sflag:$0x1] =	stream.linear.gather [hbm4b:s22+s3], $0x400, $0x38;
	[tilespmem:$0x10880] =	vst v63  }
0x1b2: {  	s22 =	sand.u32 $0x7FFFFC00, s25  }
0x1b3: {  	s26 =	sld [smem:$0x7FB];
	s22 =	sadd.s32 s16, s22  }
0x1b4: {  	s22 =	sshrl.u32 s22, $0x3  }
0x1b5: {  	s22 =	sadd.s32 s2, s22  }
0x1b6: {  	[tilespmem:s26], [sflag:$0x1] =	stream.linear.gather [hbm4b:s22+s3], $0x400, $0x38;
	[tilespmem:$0x10880] =	vst v63  }
0x1b7: {  	s28 =	spop (v2sf)  }
0x1b8: {  	s22 =	sand.u32 $0x7FFFFC00, s28  }
0x1b9: {  	s29 =	sld [smem:$0x7FC];
	s22 =	sadd.s32 s16, s22  }
0x1ba: {  	s22 =	sshrl.u32 s22, $0x3  }
0x1bb: {  	s22 =	sadd.s32 s2, s22  }
0x1bc: {  	[tilespmem:s29], [sflag:$0x1] =	stream.linear.gather [hbm4b:s22+s3], $0x400, $0x38;
	[tilespmem:$0x10880] =	vst v63  }
0x1bd: {  	_ =	swait.ge [sflag:s20], $0x400  }
0x1be: {  	[sflag:s20] =	ssyncset.done $0x0  }
0x1bf: {  	[sflag:s20] =	ssyncadd.s32 $0xFFFFFC00  }
0x1c0: {  	_ =	swait.ge [sflag:s18], $0x10000  }
0x1c1: {  	[sflag:s18] =	ssyncset.done $0x0  }
0x1c2: {  	[sflag:s18] =	ssyncadd.s32 $0xFFFF0000  }
0x1c3: {  	v4 =	vld [tilespmem:s6+$0x0];
	_ =	sdelay $0x1  }
0x1c4: {  	v5 =	vld [tilespmem:s8+$0x0];
	_ =	sdelay $0x1  }
0x1c5: {  	v6 =	vld [tilespmem:s11+$0x0]  }
0x1c6: {  	v4 =	vand.u32 $0x7F, v4  }
0x1c7: {  	v7 =	vld [tilespmem:s14+$0x0];
	v4 =	vor.u32 v0, v4  }
0x1c8: {  	v5 =	vand.u32 $0x7F, v5  }
0x1c9: {  	v5 =	vor.u32 v1, v5  }
0x1ca: {  	v6 =	vand.u32 $0x7F, v6  }
0x1cb: {  	v8 =	vld [tilespmem:s6+$0x400];
	v6 =	vor.u32 v2, v6  }
0x1cc: {  	v7 =	vand.u32 $0x7F, v7;
	v4 =	vld.idx.msk [tilespmem:v4+s19+$0x0], $0xffff  }
0x1cd: {  	v9 =	vld [tilespmem:s8+$0x400];
	v7 =	vor.u32 v3, v7  }
0x1ce: {  	v5 =	vld.idx.msk [tilespmem:v5+s19+$0x0], $0xffff  }
0x1cf: {  	v10 =	vld [tilespmem:s11+$0x400]  }
0x1d0: {  	v6 =	vld.idx.msk [tilespmem:v6+s19+$0x0], $0xffff  }
0x1d1: {  	v63 =	vld [tilespmem:s14+$0x400];
	v4 =	vmul.f32 v8, v4  }
0x1d2: {  	v7 =	vld.idx.msk [tilespmem:v7+s19+$0x0], $0xffff  }
0x1d3: {  	v5 =	vmul.f32 v9, v5;
	v4 =	vadd.f32 $0.0e+00, v4;
	_ =	sdelay $0x1  }
0x1d4: {  	v4 =	vadd.f32 v5, v4;
	v5 =	vmul.f32 v10, v6;
	_ =	sdelay $0x1  }
0x1d5: {  	v4 =	vadd.f32 v5, v4;
	v5 =	vmul.f32 v63, v7;
	_ =	sdelay $0x1  }
0x1d6: {  	s31 =	sld [smem:$0x7FD];
	v4 =	vadd.f32 v5, v4  }
0x1d7: {  	p0 =	sne.s32 s17, $0x1  }
.Ltmp0:
0x1d8: {  	s30 =	rddreg [dreg:$0x4];
	[tilespmem:$0x10800] =	vst v4;
	(pc) =	sbr.rel @p0 .LBB2_1-.Ltmp0, $4  }
0x1d9: {  	[hbm4b:s30+s3] =	stream.linear.scatter [tilespmem:s31], [sflag:$0x3], $0x80, $0x38;
	[tilespmem:$0x10880] =	vst v63  }
0x1da: {  	_ =	swait.ge [sflag:s21], $0x80  }
0x1db: {  	[sflag:s21] =	ssyncset.done $0x0  }
0x1dc: {  	s17 =	sadd.s32 $0xFFFFFFFF, s17;
	[sflag:s21] =	ssyncadd.s32 $0xFFFFFF80  }
0x1dd: {  	_ =	sfence.sel $0x180000  }
0x1de: {  	[bflag:$0x0] =	sbarrier.arrive $0xFFFF  }
0x1df: {  	p0 =	sne.s32 s1, $0x0;
	_ =	strace $0x90000047  }
0x1e0: {  	s0 =	sadd.s32 @!p0 $0x100000, s0;
	[bflag:$0x2] =	sbarrier.arrive $0xFFFF  }
0x1e1: {  	[sflag:s0] =	ssyncadd.tile.s32 @!p0 $0x1;
	_ =	shalt  }
.Lfunc_end2:
_tile_overlayer_lowered:
.L_overlay_start_2:
0x1e2: {  	(tag) =	ssettag $0x2  }
0x1e3: {  	s0 =	rddreg [dreg:$0x0];
	s2 =	stileid.u32  }
0x1e4: {  	s1 =	rddreg [dreg:$0x1];
	p0 =	sne.s32 s2, $0x0  }
0x1e5: {  	s3 =	rddreg [dreg:$0x2];
	[bflag:$0x3] =	sbarrier.arrive $0xFFFF;
	s2 =	simm.s32 @!p0 $0x1C03  }
0x1e6: {  	[timem:s3], [sflag:s2] =	dma.local @!p0 [hbm:s0], s1  }
0x1e7: {  	s0 =	simm.s32 @!p0 $0x3  }
0x1e8: {  	_ =	swait.ge @!p0 [sflag:s0], s1  }
0x1e9: {  	s1 =	ssub.s32 @!p0 $0x0, s1;
	[sflag:s0] =	ssyncset.done @!p0 $0x0  }
0x1ea: {  	[sflag:s0] =	ssyncadd.s32 @!p0 s1  }
0x1eb: {  	[bflag:$0x3] =	sbarrier.arrive $0xFFFF  }
0x1ec: {  	_ =	shalt  }

</sc_bundles>
